<compile_context>
chip_gen: v7x
topology: tpu7x:2x2x1
jax: 0.10.2.dev20260603
libtpu: 0.0.44.dev20260713+nightly
codegen_flags: <defaults>
</compile_context>

<pallas_src>
import functools

import jax
import jax.numpy as jnp
from jax import lax
from jax.experimental import pallas as pl
from jax.experimental.pallas import tpu as pltpu
from jax.experimental.pallas import tpu_sc as plsc

_B = 16384
_D = 64
_NC = 2
_NS = 16
_NW = _NC * _NS
_BPW = _B // _NW
_CH = 128
_NCH = _BPW // _CH

_R = 2048
_TC_BLK = 2048


def _pack_body(in1_ref, in2_ref, in3_ref, in4_ref, eye_ref, out_ref):
    eye = eye_ref[...]
    tdot = lambda x: jax.lax.dot_general(
        x.astype(jnp.bfloat16), eye,
        dimension_numbers=(((0,), (0,)), ((), ())),
        preferred_element_type=jnp.float32)

    def pack2(lo, hi):
        ulo = jax.lax.bitcast_convert_type(lo, jnp.int32)
        uhi = jax.lax.bitcast_convert_type(hi, jnp.int32)
        word = jax.lax.shift_right_logical(ulo, 16) | (uhi & jnp.int32(-65536))
        return jax.lax.bitcast_convert_type(word, jnp.float32)

    out_ref[:, :_D] = pack2(tdot(in1_ref[...]), tdot(in2_ref[...]))
    out_ref[:, _D:] = pack2(tdot(in3_ref[...]), tdot(in4_ref[...]))


def _tail_body(in_ref, eye_ref, big_ref, out_ref):
    del big_ref
    eye = eye_ref[...]
    tt = jax.lax.dot_general(
        in_ref[...].astype(jnp.bfloat16), eye,
        dimension_numbers=(((0,), (0,)), ((), ())),
        preferred_element_type=jnp.float32)
    ulo = jax.lax.bitcast_convert_type(tt[:_D, :], jnp.int32)
    uhi = jax.lax.bitcast_convert_type(tt[_D:, :], jnp.int32)
    word = jax.lax.shift_right_logical(ulo, 16) | (uhi & jnp.int32(-65536))
    out_ref[:, :_D] = jax.lax.bitcast_convert_type(word, jnp.float32)
    out_ref[:, _D:] = jnp.zeros((_D, _D), jnp.float32)


def _tc_transpose_pack(table_t, n_rows):
    n = table_t.shape[1]
    g_full = n // (4 * _R)
    m = g_full * 4 * _R
    p_phys = ((n + 127) // 128) * 128
    nb = (p_phys - m) // 128
    tot = g_full * _R + nb * _D
    eye = jnp.eye(_D, dtype=jnp.bfloat16)
    main = pl.pallas_call(
        _pack_body,
        grid=(g_full,),
        in_specs=[
            pl.BlockSpec((_D, _R), lambda i: (0, 4 * i)),
            pl.BlockSpec((_D, _R), lambda i: (0, 4 * i + 1)),
            pl.BlockSpec((_D, _R), lambda i: (0, 4 * i + 2)),
            pl.BlockSpec((_D, _R), lambda i: (0, 4 * i + 3)),
            pl.BlockSpec((_D, _D), lambda i: (0, 0)),
        ],
        out_specs=pl.BlockSpec((_R, 2 * _D), lambda i: (i, 0)),
        out_shape=jax.ShapeDtypeStruct((tot, 2 * _D), jnp.float32),
    )(table_t, table_t, table_t, table_t, eye)
    first_blk = m // 128
    tail_row0 = (g_full * _R) // _D
    return pl.pallas_call(
        _tail_body,
        grid=(nb,),
        in_specs=[
            pl.BlockSpec((_D, 128), lambda i: (0, first_blk + i)),
            pl.BlockSpec((_D, _D), lambda i: (0, 0)),
            pl.BlockSpec(memory_space=pl.ANY),
        ],
        out_specs=pl.BlockSpec((_D, 2 * _D), lambda i: (tail_row0 + i, 0)),
        out_shape=jax.ShapeDtypeStruct((tot, 2 * _D), jnp.float32),
        input_output_aliases={2: 0},
    )(table_t, eye, main)


def _sc_gather(obj_packed, attr_packed, oi_rows, ai_rows):
    mesh = plsc.VectorSubcoreMesh(core_axis_name="c", subcore_axis_name="s")

    @functools.partial(
        pl.kernel,
        mesh=mesh,
        out_type=(jax.ShapeDtypeStruct((_B, 2 * _D), jnp.float32),
                  jax.ShapeDtypeStruct((_B, 2 * _D), jnp.float32)),
        scratch_types=[
            pltpu.VMEM((_CH,), jnp.int32),
            pltpu.VMEM((_CH,), jnp.int32),
            pltpu.VMEM((_CH, 2 * _D), jnp.float32),
            pltpu.VMEM((_CH, 2 * _D), jnp.float32),
            pltpu.SemaphoreType.DMA,
            pltpu.SemaphoreType.DMA,
        ],
    )
    def gather_k(obj_hbm, attr_hbm, oi_hbm, ai_hbm, o_hbm, a_hbm,
                 oidx_v, aidx_v, orows_v, arows_v, sem_o, sem_a):
        wid = lax.axis_index("s") * _NC + lax.axis_index("c")
        base = wid * _BPW
        for c in range(_NCH):
            pltpu.sync_copy(oi_hbm.at[pl.ds(base + c * _CH, _CH)], oidx_v)
            cp_o = pltpu.async_copy(obj_hbm.at[oidx_v], orows_v, sem_o)
            pltpu.sync_copy(ai_hbm.at[pl.ds(base + c * _CH, _CH)], aidx_v)
            cp_a = pltpu.async_copy(attr_hbm.at[aidx_v], arows_v, sem_a)
            cp_o.wait()
            pltpu.sync_copy(orows_v, o_hbm.at[pl.ds(base + c * _CH, _CH)])
            cp_a.wait()
            pltpu.sync_copy(arows_v, a_hbm.at[pl.ds(base + c * _CH, _CH)])

    return gather_k(obj_packed, attr_packed, oi_rows, ai_rows)


def _dense_body(go_ref, ga_ref, s_ref, rw_ref, rb_ref,
                fw_ref, fb_ref, c1o_ref, c1a_ref, c1b_ref,
                c2w_ref, c2b_ref,
                shared_ref, route_ref, context_ref, out_ref):
    def unpack(g_ref, s):
        half = jnp.where(s >= 2, g_ref[:, _D:], g_ref[:, :_D])
        u = jax.lax.bitcast_convert_type(half, jnp.int32)
        bits = jnp.where(s % 2 == 1, u & jnp.int32(-65536),
                         jax.lax.shift_left(u, 16))
        return jax.lax.bitcast_convert_type(bits, jnp.float32)

    s = s_ref[...]
    o = unpack(go_ref, s % 4).astype(jnp.bfloat16)
    a = unpack(ga_ref, s // 4).astype(jnp.bfloat16)
    bdot = lambda x, w: jnp.dot(x, w.astype(jnp.bfloat16),
                                preferred_element_type=jnp.float32)
    route = jax.nn.sigmoid(bdot(o, rw_ref[...]) + rb_ref[...])
    shared = jax.nn.sigmoid(bdot(a, fw_ref[...]) + fb_ref[...])
    h = jnp.tanh(bdot(o, c1o_ref[...]) + bdot(a, c1a_ref[...]) + c1b_ref[...])
    context = jax.nn.sigmoid(
        bdot(h.astype(jnp.bfloat16), c2w_ref[...]) + c2b_ref[...])
    sharedt = shared.T
    routet = route.T
    contextt = context.T
    shared_ref[...] = sharedt
    route_ref[...] = routet
    context_ref[...] = contextt
    out_ref[...] = jnp.concatenate([sharedt, routet[1:2, :], contextt], axis=0)


def _tc_dense(g_o, g_a, sel_w, router_W, router_b, fiber_W, fiber_b,
              c1_W, c1_b, c2_W, c2_b):
    grid = (_B // _TC_BLK,)
    row_spec = lambda w: pl.BlockSpec((_TC_BLK, w), lambda i: (i, 0))
    col_spec = lambda h: pl.BlockSpec((h, _TC_BLK), lambda i: (0, i))
    full_spec = lambda s: pl.BlockSpec(s, lambda i: (0, 0))
    return pl.pallas_call(
        _dense_body,
        grid=grid,
        in_specs=[
            row_spec(2 * _D), row_spec(2 * _D), row_spec(1),
            full_spec((_D, 2)), full_spec((1, 2)),
            full_spec((_D, 1)), full_spec((1, 1)),
            full_spec((_D, _D)), full_spec((_D, _D)), full_spec((1, _D)),
            full_spec((_D, 1)), full_spec((1, 1)),
        ],
        out_specs=[col_spec(1), col_spec(2), col_spec(1), col_spec(3)],
        out_shape=[
            jax.ShapeDtypeStruct((1, _B), jnp.float32),
            jax.ShapeDtypeStruct((2, _B), jnp.float32),
            jax.ShapeDtypeStruct((1, _B), jnp.float32),
            jax.ShapeDtypeStruct((3, _B), jnp.float32),
        ],
    )(g_o, g_a, sel_w,
      router_W, router_b.reshape(1, 2),
      fiber_W, fiber_b.reshape(1, 1),
      c1_W[:_D], c1_W[_D:], c1_b.reshape(1, _D),
      c2_W, c2_b.reshape(1, 1))


def kernel(object_idx, attr_idx, object_table, attr_table,
           router_W, router_b, fiber_W, fiber_b,
           c1_W, c1_b, c2_W, c2_b):
    oi = object_idx.astype(jnp.int32)
    ai = attr_idx.astype(jnp.int32)
    def coords(j, n):
        g_full = n // (4 * _R)
        m = g_full * 4 * _R
        t = j - m
        row_main = (j // (4 * _R)) * _R + (j % _R)
        q_main = (j // _R) % 4
        row_tail = g_full * _R + (t // 128) * _D + (t % _D)
        q_tail = (t % 128) // _D
        in_main = j < m
        return (jnp.where(in_main, row_main, row_tail),
                jnp.where(in_main, q_main, q_tail))

    oi_rows, so = coords(oi, object_table.shape[0])
    ai_rows, sa = coords(ai, attr_table.shape[0])
    sel_w = (so + 4 * sa).astype(jnp.int32).reshape(_B, 1)

    obj_packed = _tc_transpose_pack(object_table.T, object_table.shape[0])
    attr_packed = _tc_transpose_pack(attr_table.T, attr_table.shape[0])
    g_o, g_a = _sc_gather(obj_packed, attr_packed, oi_rows, ai_rows)
    sharedt, routet, contextt, outt = _tc_dense(
        g_o, g_a, sel_w, router_W, router_b, fiber_W, fiber_b,
        c1_W, c1_b, c2_W, c2_b)
    return (sharedt.T, routet.T, contextt.T, outt.T)

# --- scband reference (transcript-rebuilt; emitter-appended) ---
"""Pipeline reference for scband-object-attribute-prototype-352187318476 (READ-ONLY COPY).

The authoritative reference and input builder live on the scoring server;
editing this copy changes nothing except your own understanding.
"""

import jax, jax.numpy as jnp
import numpy as np

B = 16384
N_OBJECTS = 1000000
N_ATTRS = 100000
D = 64

def setup_inputs(seed: int = 0) -> dict:
    key = jax.random.key(seed)
    ks = jax.random.split(key, 8)
    object_idx = jax.random.randint(ks[0], (B,), 0, N_OBJECTS, dtype=jnp.int64 if jax.config.jax_enable_x64 else jnp.int32)
    attr_idx = jax.random.randint(ks[1], (B,), 0, N_ATTRS, dtype=jnp.int64 if jax.config.jax_enable_x64 else jnp.int32)
    object_table = jax.random.normal(ks[2], (N_OBJECTS, D), dtype=jnp.float32) * 0.02
    attr_table = jax.random.normal(ks[3], (N_ATTRS, D), dtype=jnp.float32) * 0.02
    router_W = jax.random.normal(ks[4], (D, 2), dtype=jnp.float32) * 0.1
    router_b = jnp.zeros((2,), dtype=jnp.float32)
    fiber_W = jax.random.normal(ks[5], (D, 1), dtype=jnp.float32) * 0.1
    fiber_b = jnp.zeros((1,), dtype=jnp.float32)
    c1_W = jax.random.normal(ks[6], (2 * D, D), dtype=jnp.float32) * 0.1
    c1_b = jnp.zeros((D,), dtype=jnp.float32)
    c2_W = jax.random.normal(ks[7], (D, 1), dtype=jnp.float32) * 0.1
    c2_b = jnp.zeros((1,), dtype=jnp.float32)
    return {"object_idx": object_idx, "attr_idx": attr_idx,
            "object_table": object_table, "attr_table": attr_table,
            "router_W": router_W, "router_b": router_b,
            "fiber_W": fiber_W, "fiber_b": fiber_b,
            "c1_W": c1_W, "c1_b": c1_b, "c2_W": c2_W, "c2_b": c2_b}

def reference(object_idx, attr_idx, object_table, attr_table,
              router_W, router_b, fiber_W, fiber_b,
              c1_W, c1_b, c2_W, c2_b):
    # embedding lookups (SparseCore gather)
    o = jnp.take(object_table, object_idx, axis=0)
    a = jnp.take(attr_table, attr_idx, axis=0)
    route = jax.nn.sigmoid(o @ router_W + router_b)
    shared = jax.nn.sigmoid(a @ fiber_W + fiber_b)
    h = jnp.tanh(jnp.concatenate([o, a], axis=-1) @ c1_W + c1_b)
    context = jax.nn.sigmoid(h @ c2_W + c2_b)
    out = jnp.concatenate([shared, route[:, 1:2], context], axis=-1)
    return (shared, route, context, out)

if __name__ == "__main__":
    import jax
    _d = setup_inputs()
    print(jax.jit(kernel)(*tuple(_d.values())))

</pallas_src>

<mosaic_0001>
#map = affine_map<(d0, d1) -> (0, 0)>
#map1 = affine_map<(d0, d1) -> (0)>
module attributes {stable_mosaic.version = 14 : i64} {
  func.func @gather_k(%arg0: i32, %arg1: i32, %arg2: memref<250176x128xf32, #tpu.memory_space<hbm>>, %arg3: memref<25472x128xf32, #tpu.memory_space<hbm>>, %arg4: memref<16384xi32, #tpu.memory_space<hbm>>, %arg5: memref<16384xi32, #tpu.memory_space<hbm>>, %arg6: memref<16384x128xf32, #tpu.memory_space<hbm>>, %arg7: memref<16384x128xf32, #tpu.memory_space<hbm>>, %arg8: memref<128xi32, #tpu.memory_space<vmem>>, %arg9: memref<128xi32, #tpu.memory_space<vmem>>, %arg10: memref<128x128xf32, #tpu.memory_space<vmem>>, %arg11: memref<128x128xf32, #tpu.memory_space<vmem>>, %arg12: memref<!tpu.dma_semaphore, #tpu.memory_space<semaphore_mem>>, %arg13: memref<!tpu.dma_semaphore, #tpu.memory_space<semaphore_mem>>) attributes {dimension_semantics = [#tpu.dimension_semantics<core_parallel>, #tpu.dimension_semantics<subcore_parallel>], iteration_bounds = array<i64: 2, 16>, scalar_prefetch = 0 : i64, scratch_operands = 6 : i64, tpu.core_type = #tpu.core_type<sc_vector_subcore>, window_params = [{transform_indices = #map}, {transform_indices = #map}, {transform_indices = #map1}, {transform_indices = #map1}, {transform_indices = #map}, {transform_indices = #map}]} {
    %mul3A = arith.constant 2 : i32
    %mul3A_0 = arith.muli %arg1, %mul3A : i32
    %add3A = arith.addi %mul3A_0, %arg0 : i32
    %mul3A_1 = arith.constant 512 : i32
    %mul3A_2 = arith.muli %add3A, %mul3A_1 : i32
    %add3A_3 = arith.constant 0 : i32
    %add3A_4 = arith.addi %mul3A_2, %add3A_3 : i32
    "tpu.region"() ({
      %run_scoped3A = tpu.sem_alloc : memref<!tpu.dma_semaphore, #tpu.memory_space<semaphore_mem>>
      %dma_start3A_81 = tpu.memref_slice %arg4[%add3A_4] : memref<16384xi32, #tpu.memory_space<hbm>> -> memref<128xi32, #tpu.memory_space<hbm>>
      %dma_start3A_82 = tpu.memref_slice %arg4[%add3A_4] : memref<16384xi32, #tpu.memory_space<hbm>> -> memref<128xi32, #tpu.memory_space<hbm>>
      tpu.enqueue_dma source(%dma_start3A_82 : memref<128xi32, #tpu.memory_space<hbm>>) target(%arg8 : memref<128xi32, #tpu.memory_space<vmem>>) target_semaphore(%run_scoped3A : memref<!tpu.dma_semaphore, #tpu.memory_space<semaphore_mem>>)
      %dma_wait3A_83 = tpu.memref_slice %arg4[%add3A_4] : memref<16384xi32, #tpu.memory_space<hbm>> -> memref<128xi32, #tpu.memory_space<hbm>>
      %dma_wait3A_84 = tpu.memref_slice %arg4[%add3A_4] : memref<16384xi32, #tpu.memory_space<hbm>> -> memref<128xi32, #tpu.memory_space<hbm>>
      tpu.wait_dma2 semaphore(%run_scoped3A : memref<!tpu.dma_semaphore, #tpu.memory_space<semaphore_mem>>) src(%dma_wait3A_84 : memref<128xi32, #tpu.memory_space<hbm>>) dst(%arg8 : memref<128xi32, #tpu.memory_space<vmem>>)
      tpu.yield
    }) : () -> ()
    %dma_start3A = arith.constant 0 : i32
    %dma_start3A_5 = arith.constant 0 : i32
    %dma_start3A_6 = tpu.memref_slice %arg2[%dma_start3A, %dma_start3A_5] : memref<250176x128xf32, #tpu.memory_space<hbm>> -> memref<250176x128xf32, #tpu.memory_space<hbm>>
    tpu.enqueue_indirect_dma source(%dma_start3A_6 : memref<250176x128xf32, #tpu.memory_space<hbm>>) target(%arg10 : memref<128x128xf32, #tpu.memory_space<vmem>>) offsets(%arg8 : memref<128xi32, #tpu.memory_space<vmem>>) semaphore(%arg12 : memref<!tpu.dma_semaphore, #tpu.memory_space<semaphore_mem>>)
    %add3A_7 = arith.constant 0 : i32
    %add3A_8 = arith.addi %mul3A_2, %add3A_7 : i32
    "tpu.region"() ({
      %run_scoped3A = tpu.sem_alloc : memref<!tpu.dma_semaphore, #tpu.memory_space<semaphore_mem>>
      %dma_start3A_81 = tpu.memref_slice %arg5[%add3A_8] : memref<16384xi32, #tpu.memory_space<hbm>> -> memref<128xi32, #tpu.memory_space<hbm>>
      %dma_start3A_82 = tpu.memref_slice %arg5[%add3A_8] : memref<16384xi32, #tpu.memory_space<hbm>> -> memref<128xi32, #tpu.memory_space<hbm>>
      tpu.enqueue_dma source(%dma_start3A_82 : memref<128xi32, #tpu.memory_space<hbm>>) target(%arg9 : memref<128xi32, #tpu.memory_space<vmem>>) target_semaphore(%run_scoped3A : memref<!tpu.dma_semaphore, #tpu.memory_space<semaphore_mem>>)
      %dma_wait3A_83 = tpu.memref_slice %arg5[%add3A_8] : memref<16384xi32, #tpu.memory_space<hbm>> -> memref<128xi32, #tpu.memory_space<hbm>>
      %dma_wait3A_84 = tpu.memref_slice %arg5[%add3A_8] : memref<16384xi32, #tpu.memory_space<hbm>> -> memref<128xi32, #tpu.memory_space<hbm>>
      tpu.wait_dma2 semaphore(%run_scoped3A : memref<!tpu.dma_semaphore, #tpu.memory_space<semaphore_mem>>) src(%dma_wait3A_84 : memref<128xi32, #tpu.memory_space<hbm>>) dst(%arg9 : memref<128xi32, #tpu.memory_space<vmem>>)
      tpu.yield
    }) : () -> ()
    %dma_start3A_9 = arith.constant 0 : i32
    %dma_start3A_10 = arith.constant 0 : i32
    %dma_start3A_11 = tpu.memref_slice %arg3[%dma_start3A_9, %dma_start3A_10] : memref<25472x128xf32, #tpu.memory_space<hbm>> -> memref<25472x128xf32, #tpu.memory_space<hbm>>
    tpu.enqueue_indirect_dma source(%dma_start3A_11 : memref<25472x128xf32, #tpu.memory_space<hbm>>) target(%arg11 : memref<128x128xf32, #tpu.memory_space<vmem>>) offsets(%arg9 : memref<128xi32, #tpu.memory_space<vmem>>) semaphore(%arg13 : memref<!tpu.dma_semaphore, #tpu.memory_space<semaphore_mem>>)
    %dma_wait3A = arith.constant 0 : i32
    %dma_wait3A_12 = arith.constant 0 : i32
    %dma_wait3A_13 = tpu.memref_slice %arg2[%dma_wait3A, %dma_wait3A_12] : memref<250176x128xf32, #tpu.memory_space<hbm>> -> memref<250176x128xf32, #tpu.memory_space<hbm>>
    tpu.wait_indirect_dma semaphore(%arg12 : memref<!tpu.dma_semaphore, #tpu.memory_space<semaphore_mem>>) src(%dma_wait3A_13 : memref<250176x128xf32, #tpu.memory_space<hbm>>) dst(%arg10 : memref<128x128xf32, #tpu.memory_space<vmem>>)
    %add3A_14 = arith.constant 0 : i32
    %add3A_15 = arith.addi %mul3A_2, %add3A_14 : i32
    "tpu.region"() ({
      %run_scoped3A = tpu.sem_alloc : memref<!tpu.dma_semaphore, #tpu.memory_space<semaphore_mem>>
      %dma_start3A_81 = arith.constant 0 : i32
      %dma_start3A_82 = tpu.memref_slice %arg6[%add3A_15, %dma_start3A_81] : memref<16384x128xf32, #tpu.memory_space<hbm>> -> memref<128x128xf32, #tpu.memory_space<hbm>>
      %dma_start3A_83 = arith.constant 0 : i32
      %dma_start3A_84 = tpu.memref_slice %arg6[%add3A_15, %dma_start3A_83] : memref<16384x128xf32, #tpu.memory_space<hbm>> -> memref<128x128xf32, #tpu.memory_space<hbm>>
      tpu.enqueue_dma source(%arg10 : memref<128x128xf32, #tpu.memory_space<vmem>>) target(%dma_start3A_84 : memref<128x128xf32, #tpu.memory_space<hbm>>) target_semaphore(%run_scoped3A : memref<!tpu.dma_semaphore, #tpu.memory_space<semaphore_mem>>)
      %dma_wait3A_85 = arith.constant 0 : i32
      %dma_wait3A_86 = tpu.memref_slice %arg6[%add3A_15, %dma_wait3A_85] : memref<16384x128xf32, #tpu.memory_space<hbm>> -> memref<128x128xf32, #tpu.memory_space<hbm>>
      %dma_wait3A_87 = arith.constant 0 : i32
      %dma_wait3A_88 = tpu.memref_slice %arg6[%add3A_15, %dma_wait3A_87] : memref<16384x128xf32, #tpu.memory_space<hbm>> -> memref<128x128xf32, #tpu.memory_space<hbm>>
      tpu.wait_dma2 semaphore(%run_scoped3A : memref<!tpu.dma_semaphore, #tpu.memory_space<semaphore_mem>>) src(%arg10 : memref<128x128xf32, #tpu.memory_space<vmem>>) dst(%dma_wait3A_88 : memref<128x128xf32, #tpu.memory_space<hbm>>)
      tpu.yield
    }) : () -> ()
    %dma_wait3A_16 = arith.constant 0 : i32
    %dma_wait3A_17 = arith.constant 0 : i32
    %dma_wait3A_18 = tpu.memref_slice %arg3[%dma_wait3A_16, %dma_wait3A_17] : memref<25472x128xf32, #tpu.memory_space<hbm>> -> memref<25472x128xf32, #tpu.memory_space<hbm>>
    tpu.wait_indirect_dma semaphore(%arg13 : memref<!tpu.dma_semaphore, #tpu.memory_space<semaphore_mem>>) src(%dma_wait3A_18 : memref<25472x128xf32, #tpu.memory_space<hbm>>) dst(%arg11 : memref<128x128xf32, #tpu.memory_space<vmem>>)
    %add3A_19 = arith.constant 0 : i32
    %add3A_20 = arith.addi %mul3A_2, %add3A_19 : i32
    "tpu.region"() ({
      %run_scoped3A = tpu.sem_alloc : memref<!tpu.dma_semaphore, #tpu.memory_space<semaphore_mem>>
      %dma_start3A_81 = arith.constant 0 : i32
      %dma_start3A_82 = tpu.memref_slice %arg7[%add3A_20, %dma_start3A_81] : memref<16384x128xf32, #tpu.memory_space<hbm>> -> memref<128x128xf32, #tpu.memory_space<hbm>>
      %dma_start3A_83 = arith.constant 0 : i32
      %dma_start3A_84 = tpu.memref_slice %arg7[%add3A_20, %dma_start3A_83] : memref<16384x128xf32, #tpu.memory_space<hbm>> -> memref<128x128xf32, #tpu.memory_space<hbm>>
      tpu.enqueue_dma source(%arg11 : memref<128x128xf32, #tpu.memory_space<vmem>>) target(%dma_start3A_84 : memref<128x128xf32, #tpu.memory_space<hbm>>) target_semaphore(%run_scoped3A : memref<!tpu.dma_semaphore, #tpu.memory_space<semaphore_mem>>)
      %dma_wait3A_85 = arith.constant 0 : i32
      %dma_wait3A_86 = tpu.memref_slice %arg7[%add3A_20, %dma_wait3A_85] : memref<16384x128xf32, #tpu.memory_space<hbm>> -> memref<128x128xf32, #tpu.memory_space<hbm>>
      %dma_wait3A_87 = arith.constant 0 : i32
      %dma_wait3A_88 = tpu.memref_slice %arg7[%add3A_20, %dma_wait3A_87] : memref<16384x128xf32, #tpu.memory_space<hbm>> -> memref<128x128xf32, #tpu.memory_space<hbm>>
      tpu.wait_dma2 semaphore(%run_scoped3A : memref<!tpu.dma_semaphore, #tpu.memory_space<semaphore_mem>>) src(%arg11 : memref<128x128xf32, #tpu.memory_space<vmem>>) dst(%dma_wait3A_88 : memref<128x128xf32, #tpu.memory_space<hbm>>)
      tpu.yield
    }) : () -> ()
    %add3A_21 = arith.constant 128 : i32
    %add3A_22 = arith.addi %mul3A_2, %add3A_21 : i32
    "tpu.region"() ({
      %run_scoped3A = tpu.sem_alloc : memref<!tpu.dma_semaphore, #tpu.memory_space<semaphore_mem>>
      %dma_start3A_81 = tpu.memref_slice %arg4[%add3A_22] : memref<16384xi32, #tpu.memory_space<hbm>> -> memref<128xi32, #tpu.memory_space<hbm>>
      %dma_start3A_82 = tpu.memref_slice %arg4[%add3A_22] : memref<16384xi32, #tpu.memory_space<hbm>> -> memref<128xi32, #tpu.memory_space<hbm>>
      tpu.enqueue_dma source(%dma_start3A_82 : memref<128xi32, #tpu.memory_space<hbm>>) target(%arg8 : memref<128xi32, #tpu.memory_space<vmem>>) target_semaphore(%run_scoped3A : memref<!tpu.dma_semaphore, #tpu.memory_space<semaphore_mem>>)
      %dma_wait3A_83 = tpu.memref_slice %arg4[%add3A_22] : memref<16384xi32, #tpu.memory_space<hbm>> -> memref<128xi32, #tpu.memory_space<hbm>>
      %dma_wait3A_84 = tpu.memref_slice %arg4[%add3A_22] : memref<16384xi32, #tpu.memory_space<hbm>> -> memref<128xi32, #tpu.memory_space<hbm>>
      tpu.wait_dma2 semaphore(%run_scoped3A : memref<!tpu.dma_semaphore, #tpu.memory_space<semaphore_mem>>) src(%dma_wait3A_84 : memref<128xi32, #tpu.memory_space<hbm>>) dst(%arg8 : memref<128xi32, #tpu.memory_space<vmem>>)
      tpu.yield
    }) : () -> ()
    %dma_start3A_23 = arith.constant 0 : i32
    %dma_start3A_24 = arith.constant 0 : i32
    %dma_start3A_25 = tpu.memref_slice %arg2[%dma_start3A_23, %dma_start3A_24] : memref<250176x128xf32, #tpu.memory_space<hbm>> -> memref<250176x128xf32, #tpu.memory_space<hbm>>
    tpu.enqueue_indirect_dma source(%dma_start3A_25 : memref<250176x128xf32, #tpu.memory_space<hbm>>) target(%arg10 : memref<128x128xf32, #tpu.memory_space<vmem>>) offsets(%arg8 : memref<128xi32, #tpu.memory_space<vmem>>) semaphore(%arg12 : memref<!tpu.dma_semaphore, #tpu.memory_space<semaphore_mem>>)
    %add3A_26 = arith.constant 128 : i32
    %add3A_27 = arith.addi %mul3A_2, %add3A_26 : i32
    "tpu.region"() ({
      %run_scoped3A = tpu.sem_alloc : memref<!tpu.dma_semaphore, #tpu.memory_space<semaphore_mem>>
      %dma_start3A_81 = tpu.memref_slice %arg5[%add3A_27] : memref<16384xi32, #tpu.memory_space<hbm>> -> memref<128xi32, #tpu.memory_space<hbm>>
      %dma_start3A_82 = tpu.memref_slice %arg5[%add3A_27] : memref<16384xi32, #tpu.memory_space<hbm>> -> memref<128xi32, #tpu.memory_space<hbm>>
      tpu.enqueue_dma source(%dma_start3A_82 : memref<128xi32, #tpu.memory_space<hbm>>) target(%arg9 : memref<128xi32, #tpu.memory_space<vmem>>) target_semaphore(%run_scoped3A : memref<!tpu.dma_semaphore, #tpu.memory_space<semaphore_mem>>)
      %dma_wait3A_83 = tpu.memref_slice %arg5[%add3A_27] : memref<16384xi32, #tpu.memory_space<hbm>> -> memref<128xi32, #tpu.memory_space<hbm>>
      %dma_wait3A_84 = tpu.memref_slice %arg5[%add3A_27] : memref<16384xi32, #tpu.memory_space<hbm>> -> memref<128xi32, #tpu.memory_space<hbm>>
      tpu.wait_dma2 semaphore(%run_scoped3A : memref<!tpu.dma_semaphore, #tpu.memory_space<semaphore_mem>>) src(%dma_wait3A_84 : memref<128xi32, #tpu.memory_space<hbm>>) dst(%arg9 : memref<128xi32, #tpu.memory_space<vmem>>)
      tpu.yield
    }) : () -> ()
    %dma_start3A_28 = arith.constant 0 : i32
    %dma_start3A_29 = arith.constant 0 : i32
    %dma_start3A_30 = tpu.memref_slice %arg3[%dma_start3A_28, %dma_start3A_29] : memref<25472x128xf32, #tpu.memory_space<hbm>> -> memref<25472x128xf32, #tpu.memory_space<hbm>>
    tpu.enqueue_indirect_dma source(%dma_start3A_30 : memref<25472x128xf32, #tpu.memory_space<hbm>>) target(%arg11 : memref<128x128xf32, #tpu.memory_space<vmem>>) offsets(%arg9 : memref<128xi32, #tpu.memory_space<vmem>>) semaphore(%arg13 : memref<!tpu.dma_semaphore, #tpu.memory_space<semaphore_mem>>)
    %dma_wait3A_31 = arith.constant 0 : i32
    %dma_wait3A_32 = arith.constant 0 : i32
    %dma_wait3A_33 = tpu.memref_slice %arg2[%dma_wait3A_31, %dma_wait3A_32] : memref<250176x128xf32, #tpu.memory_space<hbm>> -> memref<250176x128xf32, #tpu.memory_space<hbm>>
    tpu.wait_indirect_dma semaphore(%arg12 : memref<!tpu.dma_semaphore, #tpu.memory_space<semaphore_mem>>) src(%dma_wait3A_33 : memref<250176x128xf32, #tpu.memory_space<hbm>>) dst(%arg10 : memref<128x128xf32, #tpu.memory_space<vmem>>)
    %add3A_34 = arith.constant 128 : i32
    %add3A_35 = arith.addi %mul3A_2, %add3A_34 : i32
    "tpu.region"() ({
      %run_scoped3A = tpu.sem_alloc : memref<!tpu.dma_semaphore, #tpu.memory_space<semaphore_mem>>
      %dma_start3A_81 = arith.constant 0 : i32
      %dma_start3A_82 = tpu.memref_slice %arg6[%add3A_35, %dma_start3A_81] : memref<16384x128xf32, #tpu.memory_space<hbm>> -> memref<128x128xf32, #tpu.memory_space<hbm>>
      %dma_start3A_83 = arith.constant 0 : i32
      %dma_start3A_84 = tpu.memref_slice %arg6[%add3A_35, %dma_start3A_83] : memref<16384x128xf32, #tpu.memory_space<hbm>> -> memref<128x128xf32, #tpu.memory_space<hbm>>
      tpu.enqueue_dma source(%arg10 : memref<128x128xf32, #tpu.memory_space<vmem>>) target(%dma_start3A_84 : memref<128x128xf32, #tpu.memory_space<hbm>>) target_semaphore(%run_scoped3A : memref<!tpu.dma_semaphore, #tpu.memory_space<semaphore_mem>>)
      %dma_wait3A_85 = arith.constant 0 : i32
      %dma_wait3A_86 = tpu.memref_slice %arg6[%add3A_35, %dma_wait3A_85] : memref<16384x128xf32, #tpu.memory_space<hbm>> -> memref<128x128xf32, #tpu.memory_space<hbm>>
      %dma_wait3A_87 = arith.constant 0 : i32
      %dma_wait3A_88 = tpu.memref_slice %arg6[%add3A_35, %dma_wait3A_87] : memref<16384x128xf32, #tpu.memory_space<hbm>> -> memref<128x128xf32, #tpu.memory_space<hbm>>
      tpu.wait_dma2 semaphore(%run_scoped3A : memref<!tpu.dma_semaphore, #tpu.memory_space<semaphore_mem>>) src(%arg10 : memref<128x128xf32, #tpu.memory_space<vmem>>) dst(%dma_wait3A_88 : memref<128x128xf32, #tpu.memory_space<hbm>>)
      tpu.yield
    }) : () -> ()
    %dma_wait3A_36 = arith.constant 0 : i32
    %dma_wait3A_37 = arith.constant 0 : i32
    %dma_wait3A_38 = tpu.memref_slice %arg3[%dma_wait3A_36, %dma_wait3A_37] : memref<25472x128xf32, #tpu.memory_space<hbm>> -> memref<25472x128xf32, #tpu.memory_space<hbm>>
    tpu.wait_indirect_dma semaphore(%arg13 : memref<!tpu.dma_semaphore, #tpu.memory_space<semaphore_mem>>) src(%dma_wait3A_38 : memref<25472x128xf32, #tpu.memory_space<hbm>>) dst(%arg11 : memref<128x128xf32, #tpu.memory_space<vmem>>)
    %add3A_39 = arith.constant 128 : i32
    %add3A_40 = arith.addi %mul3A_2, %add3A_39 : i32
    "tpu.region"() ({
      %run_scoped3A = tpu.sem_alloc : memref<!tpu.dma_semaphore, #tpu.memory_space<semaphore_mem>>
      %dma_start3A_81 = arith.constant 0 : i32
      %dma_start3A_82 = tpu.memref_slice %arg7[%add3A_40, %dma_start3A_81] : memref<16384x128xf32, #tpu.memory_space<hbm>> -> memref<128x128xf32, #tpu.memory_space<hbm>>
      %dma_start3A_83 = arith.constant 0 : i32
      %dma_start3A_84 = tpu.memref_slice %arg7[%add3A_40, %dma_start3A_83] : memref<16384x128xf32, #tpu.memory_space<hbm>> -> memref<128x128xf32, #tpu.memory_space<hbm>>
      tpu.enqueue_dma source(%arg11 : memref<128x128xf32, #tpu.memory_space<vmem>>) target(%dma_start3A_84 : memref<128x128xf32, #tpu.memory_space<hbm>>) target_semaphore(%run_scoped3A : memref<!tpu.dma_semaphore, #tpu.memory_space<semaphore_mem>>)
      %dma_wait3A_85 = arith.constant 0 : i32
      %dma_wait3A_86 = tpu.memref_slice %arg7[%add3A_40, %dma_wait3A_85] : memref<16384x128xf32, #tpu.memory_space<hbm>> -> memref<128x128xf32, #tpu.memory_space<hbm>>
      %dma_wait3A_87 = arith.constant 0 : i32
      %dma_wait3A_88 = tpu.memref_slice %arg7[%add3A_40, %dma_wait3A_87] : memref<16384x128xf32, #tpu.memory_space<hbm>> -> memref<128x128xf32, #tpu.memory_space<hbm>>
      tpu.wait_dma2 semaphore(%run_scoped3A : memref<!tpu.dma_semaphore, #tpu.memory_space<semaphore_mem>>) src(%arg11 : memref<128x128xf32, #tpu.memory_space<vmem>>) dst(%dma_wait3A_88 : memref<128x128xf32, #tpu.memory_space<hbm>>)
      tpu.yield
    }) : () -> ()
    %add3A_41 = arith.constant 256 : i32
    %add3A_42 = arith.addi %mul3A_2, %add3A_41 : i32
    "tpu.region"() ({
      %run_scoped3A = tpu.sem_alloc : memref<!tpu.dma_semaphore, #tpu.memory_space<semaphore_mem>>
      %dma_start3A_81 = tpu.memref_slice %arg4[%add3A_42] : memref<16384xi32, #tpu.memory_space<hbm>> -> memref<128xi32, #tpu.memory_space<hbm>>
      %dma_start3A_82 = tpu.memref_slice %arg4[%add3A_42] : memref<16384xi32, #tpu.memory_space<hbm>> -> memref<128xi32, #tpu.memory_space<hbm>>
      tpu.enqueue_dma source(%dma_start3A_82 : memref<128xi32, #tpu.memory_space<hbm>>) target(%arg8 : memref<128xi32, #tpu.memory_space<vmem>>) target_semaphore(%run_scoped3A : memref<!tpu.dma_semaphore, #tpu.memory_space<semaphore_mem>>)
      %dma_wait3A_83 = tpu.memref_slice %arg4[%add3A_42] : memref<16384xi32, #tpu.memory_space<hbm>> -> memref<128xi32, #tpu.memory_space<hbm>>
      %dma_wait3A_84 = tpu.memref_slice %arg4[%add3A_42] : memref<16384xi32, #tpu.memory_space<hbm>> -> memref<128xi32, #tpu.memory_space<hbm>>
      tpu.wait_dma2 semaphore(%run_scoped3A : memref<!tpu.dma_semaphore, #tpu.memory_space<semaphore_mem>>) src(%dma_wait3A_84 : memref<128xi32, #tpu.memory_space<hbm>>) dst(%arg8 : memref<128xi32, #tpu.memory_space<vmem>>)
      tpu.yield
    }) : () -> ()
    %dma_start3A_43 = arith.constant 0 : i32
    %dma_start3A_44 = arith.constant 0 : i32
    %dma_start3A_45 = tpu.memref_slice %arg2[%dma_start3A_43, %dma_start3A_44] : memref<250176x128xf32, #tpu.memory_space<hbm>> -> memref<250176x128xf32, #tpu.memory_space<hbm>>
    tpu.enqueue_indirect_dma source(%dma_start3A_45 : memref<250176x128xf32, #tpu.memory_space<hbm>>) target(%arg10 : memref<128x128xf32, #tpu.memory_space<vmem>>) offsets(%arg8 : memref<128xi32, #tpu.memory_space<vmem>>) semaphore(%arg12 : memref<!tpu.dma_semaphore, #tpu.memory_space<semaphore_mem>>)
    %add3A_46 = arith.constant 256 : i32
    %add3A_47 = arith.addi %mul3A_2, %add3A_46 : i32
    "tpu.region"() ({
      %run_scoped3A = tpu.sem_alloc : memref<!tpu.dma_semaphore, #tpu.memory_space<semaphore_mem>>
      %dma_start3A_81 = tpu.memref_slice %arg5[%add3A_47] : memref<16384xi32, #tpu.memory_space<hbm>> -> memref<128xi32, #tpu.memory_space<hbm>>
      %dma_start3A_82 = tpu.memref_slice %arg5[%add3A_47] : memref<16384xi32, #tpu.memory_space<hbm>> -> memref<128xi32, #tpu.memory_space<hbm>>
      tpu.enqueue_dma source(%dma_start3A_82 : memref<128xi32, #tpu.memory_space<hbm>>) target(%arg9 : memref<128xi32, #tpu.memory_space<vmem>>) target_semaphore(%run_scoped3A : memref<!tpu.dma_semaphore, #tpu.memory_space<semaphore_mem>>)
      %dma_wait3A_83 = tpu.memref_slice %arg5[%add3A_47] : memref<16384xi32, #tpu.memory_space<hbm>> -> memref<128xi32, #tpu.memory_space<hbm>>
      %dma_wait3A_84 = tpu.memref_slice %arg5[%add3A_47] : memref<16384xi32, #tpu.memory_space<hbm>> -> memref<128xi32, #tpu.memory_space<hbm>>
      tpu.wait_dma2 semaphore(%run_scoped3A : memref<!tpu.dma_semaphore, #tpu.memory_space<semaphore_mem>>) src(%dma_wait3A_84 : memref<128xi32, #tpu.memory_space<hbm>>) dst(%arg9 : memref<128xi32, #tpu.memory_space<vmem>>)
      tpu.yield
    }) : () -> ()
    %dma_start3A_48 = arith.constant 0 : i32
    %dma_start3A_49 = arith.constant 0 : i32
    %dma_start3A_50 = tpu.memref_slice %arg3[%dma_start3A_48, %dma_start3A_49] : memref<25472x128xf32, #tpu.memory_space<hbm>> -> memref<25472x128xf32, #tpu.memory_space<hbm>>
    tpu.enqueue_indirect_dma source(%dma_start3A_50 : memref<25472x128xf32, #tpu.memory_space<hbm>>) target(%arg11 : memref<128x128xf32, #tpu.memory_space<vmem>>) offsets(%arg9 : memref<128xi32, #tpu.memory_space<vmem>>) semaphore(%arg13 : memref<!tpu.dma_semaphore, #tpu.memory_space<semaphore_mem>>)
    %dma_wait3A_51 = arith.constant 0 : i32
    %dma_wait3A_52 = arith.constant 0 : i32
    %dma_wait3A_53 = tpu.memref_slice %arg2[%dma_wait3A_51, %dma_wait3A_52] : memref<250176x128xf32, #tpu.memory_space<hbm>> -> memref<250176x128xf32, #tpu.memory_space<hbm>>
    tpu.wait_indirect_dma semaphore(%arg12 : memref<!tpu.dma_semaphore, #tpu.memory_space<semaphore_mem>>) src(%dma_wait3A_53 : memref<250176x128xf32, #tpu.memory_space<hbm>>) dst(%arg10 : memref<128x128xf32, #tpu.memory_space<vmem>>)
    %add3A_54 = arith.constant 256 : i32
    %add3A_55 = arith.addi %mul3A_2, %add3A_54 : i32
    "tpu.region"() ({
      %run_scoped3A = tpu.sem_alloc : memref<!tpu.dma_semaphore, #tpu.memory_space<semaphore_mem>>
      %dma_start3A_81 = arith.constant 0 : i32
      %dma_start3A_82 = tpu.memref_slice %arg6[%add3A_55, %dma_start3A_81] : memref<16384x128xf32, #tpu.memory_space<hbm>> -> memref<128x128xf32, #tpu.memory_space<hbm>>
      %dma_start3A_83 = arith.constant 0 : i32
      %dma_start3A_84 = tpu.memref_slice %arg6[%add3A_55, %dma_start3A_83] : memref<16384x128xf32, #tpu.memory_space<hbm>> -> memref<128x128xf32, #tpu.memory_space<hbm>>
      tpu.enqueue_dma source(%arg10 : memref<128x128xf32, #tpu.memory_space<vmem>>) target(%dma_start3A_84 : memref<128x128xf32, #tpu.memory_space<hbm>>) target_semaphore(%run_scoped3A : memref<!tpu.dma_semaphore, #tpu.memory_space<semaphore_mem>>)
      %dma_wait3A_85 = arith.constant 0 : i32
      %dma_wait3A_86 = tpu.memref_slice %arg6[%add3A_55, %dma_wait3A_85] : memref<16384x128xf32, #tpu.memory_space<hbm>> -> memref<128x128xf32, #tpu.memory_space<hbm>>
      %dma_wait3A_87 = arith.constant 0 : i32
      %dma_wait3A_88 = tpu.memref_slice %arg6[%add3A_55, %dma_wait3A_87] : memref<16384x128xf32, #tpu.memory_space<hbm>> -> memref<128x128xf32, #tpu.memory_space<hbm>>
      tpu.wait_dma2 semaphore(%run_scoped3A : memref<!tpu.dma_semaphore, #tpu.memory_space<semaphore_mem>>) src(%arg10 : memref<128x128xf32, #tpu.memory_space<vmem>>) dst(%dma_wait3A_88 : memref<128x128xf32, #tpu.memory_space<hbm>>)
      tpu.yield
    }) : () -> ()
    %dma_wait3A_56 = arith.constant 0 : i32
    %dma_wait3A_57 = arith.constant 0 : i32
    %dma_wait3A_58 = tpu.memref_slice %arg3[%dma_wait3A_56, %dma_wait3A_57] : memref<25472x128xf32, #tpu.memory_space<hbm>> -> memref<25472x128xf32, #tpu.memory_space<hbm>>
    tpu.wait_indirect_dma semaphore(%arg13 : memref<!tpu.dma_semaphore, #tpu.memory_space<semaphore_mem>>) src(%dma_wait3A_58 : memref<25472x128xf32, #tpu.memory_space<hbm>>) dst(%arg11 : memref<128x128xf32, #tpu.memory_space<vmem>>)
    %add3A_59 = arith.constant 256 : i32
    %add3A_60 = arith.addi %mul3A_2, %add3A_59 : i32
    "tpu.region"() ({
      %run_scoped3A = tpu.sem_alloc : memref<!tpu.dma_semaphore, #tpu.memory_space<semaphore_mem>>
      %dma_start3A_81 = arith.constant 0 : i32
      %dma_start3A_82 = tpu.memref_slice %arg7[%add3A_60, %dma_start3A_81] : memref<16384x128xf32, #tpu.memory_space<hbm>> -> memref<128x128xf32, #tpu.memory_space<hbm>>
      %dma_start3A_83 = arith.constant 0 : i32
      %dma_start3A_84 = tpu.memref_slice %arg7[%add3A_60, %dma_start3A_83] : memref<16384x128xf32, #tpu.memory_space<hbm>> -> memref<128x128xf32, #tpu.memory_space<hbm>>
      tpu.enqueue_dma source(%arg11 : memref<128x128xf32, #tpu.memory_space<vmem>>) target(%dma_start3A_84 : memref<128x128xf32, #tpu.memory_space<hbm>>) target_semaphore(%run_scoped3A : memref<!tpu.dma_semaphore, #tpu.memory_space<semaphore_mem>>)
      %dma_wait3A_85 = arith.constant 0 : i32
      %dma_wait3A_86 = tpu.memref_slice %arg7[%add3A_60, %dma_wait3A_85] : memref<16384x128xf32, #tpu.memory_space<hbm>> -> memref<128x128xf32, #tpu.memory_space<hbm>>
      %dma_wait3A_87 = arith.constant 0 : i32
      %dma_wait3A_88 = tpu.memref_slice %arg7[%add3A_60, %dma_wait3A_87] : memref<16384x128xf32, #tpu.memory_space<hbm>> -> memref<128x128xf32, #tpu.memory_space<hbm>>
      tpu.wait_dma2 semaphore(%run_scoped3A : memref<!tpu.dma_semaphore, #tpu.memory_space<semaphore_mem>>) src(%arg11 : memref<128x128xf32, #tpu.memory_space<vmem>>) dst(%dma_wait3A_88 : memref<128x128xf32, #tpu.memory_space<hbm>>)
      tpu.yield
    }) : () -> ()
    %add3A_61 = arith.constant 384 : i32
    %add3A_62 = arith.addi %mul3A_2, %add3A_61 : i32
    "tpu.region"() ({
      %run_scoped3A = tpu.sem_alloc : memref<!tpu.dma_semaphore, #tpu.memory_space<semaphore_mem>>
      %dma_start3A_81 = tpu.memref_slice %arg4[%add3A_62] : memref<16384xi32, #tpu.memory_space<hbm>> -> memref<128xi32, #tpu.memory_space<hbm>>
      %dma_start3A_82 = tpu.memref_slice %arg4[%add3A_62] : memref<16384xi32, #tpu.memory_space<hbm>> -> memref<128xi32, #tpu.memory_space<hbm>>
      tpu.enqueue_dma source(%dma_start3A_82 : memref<128xi32, #tpu.memory_space<hbm>>) target(%arg8 : memref<128xi32, #tpu.memory_space<vmem>>) target_semaphore(%run_scoped3A : memref<!tpu.dma_semaphore, #tpu.memory_space<semaphore_mem>>)
      %dma_wait3A_83 = tpu.memref_slice %arg4[%add3A_62] : memref<16384xi32, #tpu.memory_space<hbm>> -> memref<128xi32, #tpu.memory_space<hbm>>
      %dma_wait3A_84 = tpu.memref_slice %arg4[%add3A_62] : memref<16384xi32, #tpu.memory_space<hbm>> -> memref<128xi32, #tpu.memory_space<hbm>>
      tpu.wait_dma2 semaphore(%run_scoped3A : memref<!tpu.dma_semaphore, #tpu.memory_space<semaphore_mem>>) src(%dma_wait3A_84 : memref<128xi32, #tpu.memory_space<hbm>>) dst(%arg8 : memref<128xi32, #tpu.memory_space<vmem>>)
      tpu.yield
    }) : () -> ()
    %dma_start3A_63 = arith.constant 0 : i32
    %dma_start3A_64 = arith.constant 0 : i32
    %dma_start3A_65 = tpu.memref_slice %arg2[%dma_start3A_63, %dma_start3A_64] : memref<250176x128xf32, #tpu.memory_space<hbm>> -> memref<250176x128xf32, #tpu.memory_space<hbm>>
    tpu.enqueue_indirect_dma source(%dma_start3A_65 : memref<250176x128xf32, #tpu.memory_space<hbm>>) target(%arg10 : memref<128x128xf32, #tpu.memory_space<vmem>>) offsets(%arg8 : memref<128xi32, #tpu.memory_space<vmem>>) semaphore(%arg12 : memref<!tpu.dma_semaphore, #tpu.memory_space<semaphore_mem>>)
    %add3A_66 = arith.constant 384 : i32
    %add3A_67 = arith.addi %mul3A_2, %add3A_66 : i32
    "tpu.region"() ({
      %run_scoped3A = tpu.sem_alloc : memref<!tpu.dma_semaphore, #tpu.memory_space<semaphore_mem>>
      %dma_start3A_81 = tpu.memref_slice %arg5[%add3A_67] : memref<16384xi32, #tpu.memory_space<hbm>> -> memref<128xi32, #tpu.memory_space<hbm>>
      %dma_start3A_82 = tpu.memref_slice %arg5[%add3A_67] : memref<16384xi32, #tpu.memory_space<hbm>> -> memref<128xi32, #tpu.memory_space<hbm>>
      tpu.enqueue_dma source(%dma_start3A_82 : memref<128xi32, #tpu.memory_space<hbm>>) target(%arg9 : memref<128xi32, #tpu.memory_space<vmem>>) target_semaphore(%run_scoped3A : memref<!tpu.dma_semaphore, #tpu.memory_space<semaphore_mem>>)
      %dma_wait3A_83 = tpu.memref_slice %arg5[%add3A_67] : memref<16384xi32, #tpu.memory_space<hbm>> -> memref<128xi32, #tpu.memory_space<hbm>>
      %dma_wait3A_84 = tpu.memref_slice %arg5[%add3A_67] : memref<16384xi32, #tpu.memory_space<hbm>> -> memref<128xi32, #tpu.memory_space<hbm>>
      tpu.wait_dma2 semaphore(%run_scoped3A : memref<!tpu.dma_semaphore, #tpu.memory_space<semaphore_mem>>) src(%dma_wait3A_84 : memref<128xi32, #tpu.memory_space<hbm>>) dst(%arg9 : memref<128xi32, #tpu.memory_space<vmem>>)
      tpu.yield
    }) : () -> ()
    %dma_start3A_68 = arith.constant 0 : i32
    %dma_start3A_69 = arith.constant 0 : i32
    %dma_start3A_70 = tpu.memref_slice %arg3[%dma_start3A_68, %dma_start3A_69] : memref<25472x128xf32, #tpu.memory_space<hbm>> -> memref<25472x128xf32, #tpu.memory_space<hbm>>
    tpu.enqueue_indirect_dma source(%dma_start3A_70 : memref<25472x128xf32, #tpu.memory_space<hbm>>) target(%arg11 : memref<128x128xf32, #tpu.memory_space<vmem>>) offsets(%arg9 : memref<128xi32, #tpu.memory_space<vmem>>) semaphore(%arg13 : memref<!tpu.dma_semaphore, #tpu.memory_space<semaphore_mem>>)
    %dma_wait3A_71 = arith.constant 0 : i32
    %dma_wait3A_72 = arith.constant 0 : i32
    %dma_wait3A_73 = tpu.memref_slice %arg2[%dma_wait3A_71, %dma_wait3A_72] : memref<250176x128xf32, #tpu.memory_space<hbm>> -> memref<250176x128xf32, #tpu.memory_space<hbm>>
    tpu.wait_indirect_dma semaphore(%arg12 : memref<!tpu.dma_semaphore, #tpu.memory_space<semaphore_mem>>) src(%dma_wait3A_73 : memref<250176x128xf32, #tpu.memory_space<hbm>>) dst(%arg10 : memref<128x128xf32, #tpu.memory_space<vmem>>)
    %add3A_74 = arith.constant 384 : i32
    %add3A_75 = arith.addi %mul3A_2, %add3A_74 : i32
    "tpu.region"() ({
      %run_scoped3A = tpu.sem_alloc : memref<!tpu.dma_semaphore, #tpu.memory_space<semaphore_mem>>
      %dma_start3A_81 = arith.constant 0 : i32
      %dma_start3A_82 = tpu.memref_slice %arg6[%add3A_75, %dma_start3A_81] : memref<16384x128xf32, #tpu.memory_space<hbm>> -> memref<128x128xf32, #tpu.memory_space<hbm>>
      %dma_start3A_83 = arith.constant 0 : i32
      %dma_start3A_84 = tpu.memref_slice %arg6[%add3A_75, %dma_start3A_83] : memref<16384x128xf32, #tpu.memory_space<hbm>> -> memref<128x128xf32, #tpu.memory_space<hbm>>
      tpu.enqueue_dma source(%arg10 : memref<128x128xf32, #tpu.memory_space<vmem>>) target(%dma_start3A_84 : memref<128x128xf32, #tpu.memory_space<hbm>>) target_semaphore(%run_scoped3A : memref<!tpu.dma_semaphore, #tpu.memory_space<semaphore_mem>>)
      %dma_wait3A_85 = arith.constant 0 : i32
      %dma_wait3A_86 = tpu.memref_slice %arg6[%add3A_75, %dma_wait3A_85] : memref<16384x128xf32, #tpu.memory_space<hbm>> -> memref<128x128xf32, #tpu.memory_space<hbm>>
      %dma_wait3A_87 = arith.constant 0 : i32
      %dma_wait3A_88 = tpu.memref_slice %arg6[%add3A_75, %dma_wait3A_87] : memref<16384x128xf32, #tpu.memory_space<hbm>> -> memref<128x128xf32, #tpu.memory_space<hbm>>
      tpu.wait_dma2 semaphore(%run_scoped3A : memref<!tpu.dma_semaphore, #tpu.memory_space<semaphore_mem>>) src(%arg10 : memref<128x128xf32, #tpu.memory_space<vmem>>) dst(%dma_wait3A_88 : memref<128x128xf32, #tpu.memory_space<hbm>>)
      tpu.yield
    }) : () -> ()
    %dma_wait3A_76 = arith.constant 0 : i32
    %dma_wait3A_77 = arith.constant 0 : i32
    %dma_wait3A_78 = tpu.memref_slice %arg3[%dma_wait3A_76, %dma_wait3A_77] : memref<25472x128xf32, #tpu.memory_space<hbm>> -> memref<25472x128xf32, #tpu.memory_space<hbm>>
    tpu.wait_indirect_dma semaphore(%arg13 : memref<!tpu.dma_semaphore, #tpu.memory_space<semaphore_mem>>) src(%dma_wait3A_78 : memref<25472x128xf32, #tpu.memory_space<hbm>>) dst(%arg11 : memref<128x128xf32, #tpu.memory_space<vmem>>)
    %add3A_79 = arith.constant 384 : i32
    %add3A_80 = arith.addi %mul3A_2, %add3A_79 : i32
    "tpu.region"() ({
      %run_scoped3A = tpu.sem_alloc : memref<!tpu.dma_semaphore, #tpu.memory_space<semaphore_mem>>
      %dma_start3A_81 = arith.constant 0 : i32
      %dma_start3A_82 = tpu.memref_slice %arg7[%add3A_80, %dma_start3A_81] : memref<16384x128xf32, #tpu.memory_space<hbm>> -> memref<128x128xf32, #tpu.memory_space<hbm>>
      %dma_start3A_83 = arith.constant 0 : i32
      %dma_start3A_84 = tpu.memref_slice %arg7[%add3A_80, %dma_start3A_83] : memref<16384x128xf32, #tpu.memory_space<hbm>> -> memref<128x128xf32, #tpu.memory_space<hbm>>
      tpu.enqueue_dma source(%arg11 : memref<128x128xf32, #tpu.memory_space<vmem>>) target(%dma_start3A_84 : memref<128x128xf32, #tpu.memory_space<hbm>>) target_semaphore(%run_scoped3A : memref<!tpu.dma_semaphore, #tpu.memory_space<semaphore_mem>>)
      %dma_wait3A_85 = arith.constant 0 : i32
      %dma_wait3A_86 = tpu.memref_slice %arg7[%add3A_80, %dma_wait3A_85] : memref<16384x128xf32, #tpu.memory_space<hbm>> -> memref<128x128xf32, #tpu.memory_space<hbm>>
      %dma_wait3A_87 = arith.constant 0 : i32
      %dma_wait3A_88 = tpu.memref_slice %arg7[%add3A_80, %dma_wait3A_87] : memref<16384x128xf32, #tpu.memory_space<hbm>> -> memref<128x128xf32, #tpu.memory_space<hbm>>
      tpu.wait_dma2 semaphore(%run_scoped3A : memref<!tpu.dma_semaphore, #tpu.memory_space<semaphore_mem>>) src(%arg11 : memref<128x128xf32, #tpu.memory_space<vmem>>) dst(%dma_wait3A_88 : memref<128x128xf32, #tpu.memory_space<hbm>>)
      tpu.yield
    }) : () -> ()
    return
  }
}

module attributes {stable_mosaic.version = 14 : i64} {
  func.func @_tail_body(%arg0: i32, %arg1: memref<64x128xf32, #tpu.memory_space<vmem>>, %arg2: memref<64x64xbf16, #tpu.memory_space<vmem>>, %arg3: memref<250176x128xf32, #tpu.memory_space<any>>, %arg4: memref<64x128xf32, #tpu.memory_space<vmem>>) attributes {dimension_semantics = [#tpu.dimension_semantics<arbitrary>], iteration_bounds = array<i64: 5>, scalar_prefetch = 0 : i64, scratch_operands = 0 : i64, tpu.core_type = #tpu.core_type<tc>, window_params = [{transform_indices = @transform_0, window_bounds = array<i64: 64, 128>}, {pipeline_mode = #tpu.pipeline_mode<synchronous>, transform_indices = @transform_1, window_bounds = array<i64: 64, 64>}, {}, {transform_indices = @transform_3, window_bounds = array<i64: 64, 128>}]} {
    %get3A = arith.constant 0 : index
    %get3A_0 = arith.constant 0 : index
    %get3A_1 = vector.load %arg2[%get3A, %get3A_0] : memref<64x64xbf16, #tpu.memory_space<vmem>>, vector<64x64xbf16>
    %get3A_2 = arith.constant 0 : index
    %get3A_3 = arith.constant 0 : index
    %get3A_4 = vector.load %arg1[%get3A_2, %get3A_3] : memref<64x128xf32, #tpu.memory_space<vmem>>, vector<64x128xf32>
    %convert_element_type3A = arith.truncf %get3A_4 : vector<64x128xf32> to vector<64x128xbf16>
    %dot_general3A = arith.constant dense<0.000000e+00> : vector<128x64xf32>
    %dot_general3A_5 = tpu.matmul %convert_element_type3A, %get3A_1, %dot_general3A {dimension_numbers = #tpu.dot_dimension_numbers<[0], [0], [1], [1], [0, 1, 1, 1], [], []>, transpose_lhs_hint = false} : vector<64x128xbf16>, vector<64x64xbf16>, vector<128x64xf32> -> vector<128x64xf32>
    %slice3A = vector.extract_strided_slice %dot_general3A_5 {offsets = [0, 0], sizes = [64, 64], strides = [1, 1]} : vector<128x64xf32> to vector<64x64xf32>
    %bitcast_convert_type3A = tpu.bitcast %slice3A : vector<64x64xf32> -> vector<64x64xi32>
    %slice3A_6 = vector.extract_strided_slice %dot_general3A_5 {offsets = [64, 0], sizes = [64, 64], strides = [1, 1]} : vector<128x64xf32> to vector<64x64xf32>
    %bitcast_convert_type3A_7 = tpu.bitcast %slice3A_6 : vector<64x64xf32> -> vector<64x64xi32>
    %shift_right_logical3A = arith.constant 16 : i32
    %shift_right_logical3A_8 = vector.broadcast %shift_right_logical3A : i32 to vector<64x64xi32>
    %shift_right_logical3A_9 = arith.shrui %bitcast_convert_type3A, %shift_right_logical3A_8 : vector<64x64xi32>
    %and3A = arith.constant -65536 : i32
    %and3A_10 = vector.broadcast %and3A : i32 to vector<64x64xi32>
    %and3A_11 = arith.andi %bitcast_convert_type3A_7, %and3A_10 : vector<64x64xi32>
    %or3A = arith.ori %shift_right_logical3A_9, %and3A_11 : vector<64x64xi32>
    %bitcast_convert_type3A_12 = tpu.bitcast %or3A : vector<64x64xi32> -> vector<64x64xf32>
    %swap3A = arith.constant 0 : index
    %swap3A_13 = arith.constant 0 : index
    %swap3A_14 = vector.load %arg4[%swap3A, %swap3A_13] : memref<64x128xf32, #tpu.memory_space<vmem>>, vector<64x64xf32>
    tpu.vector_store %arg4[%swap3A, %swap3A_13], %bitcast_convert_type3A_12 {strides = array<i32>} : memref<64x128xf32, #tpu.memory_space<vmem>>, vector<64x64xf32>,
    %broadcast_in_dim3A = arith.constant 0.000000e+00 : f32
    %broadcast_in_dim3A_15 = vector.broadcast %broadcast_in_dim3A : f32 to vector<64x64xf32>
    %swap3A_16 = arith.constant 0 : index
    %swap3A_17 = arith.constant 64 : index
    %swap3A_18 = vector.load %arg4[%swap3A_16, %swap3A_17] : memref<64x128xf32, #tpu.memory_space<vmem>>, vector<64x64xf32>
    tpu.vector_store %arg4[%swap3A_16, %swap3A_17], %broadcast_in_dim3A_15 {strides = array<i32>} : memref<64x128xf32, #tpu.memory_space<vmem>>, vector<64x64xf32>,
    return
  }
  func.func @transform_0(%arg0: i32) -> (i32, i32) {
    %add3A = arith.constant 7808 : i32
    %add3A_0 = arith.addi %add3A, %arg0 : i32
    %c0_i32 = arith.constant 0 : i32
    %c0_i32_1 = arith.constant 0 : i32
    return %c0_i32, %add3A_0 : i32, i32
  }
  func.func @transform_1(%arg0: i32) -> (i32, i32) {
    %c0_i32 = arith.constant 0 : i32
    %c0_i32_0 = arith.constant 0 : i32
    %c0_i32_1 = arith.constant 0 : i32
    return %c0_i32, %c0_i32_0 : i32, i32
  }
  func.func @transform_3(%arg0: i32) -> (i32, i32) {
    %add3A = arith.constant 3904 : i32
    %add3A_0 = arith.addi %add3A, %arg0 : i32
    %c0_i32 = arith.constant 0 : i32
    %c0_i32_1 = arith.constant 0 : i32
    return %add3A_0, %c0_i32 : i32, i32
  }
}

module attributes {stable_mosaic.version = 14 : i64} {
  func.func @_pack_body(%arg0: i32, %arg1: memref<64x2048xf32, #tpu.memory_space<vmem>>, %arg2: memref<64x2048xf32, #tpu.memory_space<vmem>>, %arg3: memref<64x2048xf32, #tpu.memory_space<vmem>>, %arg4: memref<64x2048xf32, #tpu.memory_space<vmem>>, %arg5: memref<64x64xbf16, #tpu.memory_space<vmem>>, %arg6: memref<2048x128xf32, #tpu.memory_space<vmem>>) attributes {dimension_semantics = [#tpu.dimension_semantics<arbitrary>], iteration_bounds = array<i64: 12>, scalar_prefetch = 0 : i64, scratch_operands = 0 : i64, tpu.core_type = #tpu.core_type<tc>, window_params = [{transform_indices = @transform_0, window_bounds = array<i64: 64, 2048>}, {transform_indices = @transform_1, window_bounds = array<i64: 64, 2048>}, {transform_indices = @transform_2, window_bounds = array<i64: 64, 2048>}, {transform_indices = @transform_3, window_bounds = array<i64: 64, 2048>}, {pipeline_mode = #tpu.pipeline_mode<synchronous>, transform_indices = @transform_4, window_bounds = array<i64: 64, 64>}, {transform_indices = @transform_5, window_bounds = array<i64: 2048, 128>}]} {
    %get3A = arith.constant 0 : index
    %get3A_0 = arith.constant 0 : index
    %get3A_1 = vector.load %arg5[%get3A, %get3A_0] : memref<64x64xbf16, #tpu.memory_space<vmem>>, vector<64x64xbf16>
    %get3A_2 = arith.constant 0 : index
    %get3A_3 = arith.constant 0 : index
    %get3A_4 = vector.load %arg1[%get3A_2, %get3A_3] : memref<64x2048xf32, #tpu.memory_space<vmem>>, vector<64x2048xf32>
    %convert_element_type3A = arith.truncf %get3A_4 : vector<64x2048xf32> to vector<64x2048xbf16>
    %dot_general3A = arith.constant dense<0.000000e+00> : vector<2048x64xf32>
    %dot_general3A_5 = tpu.matmul %convert_element_type3A, %get3A_1, %dot_general3A {dimension_numbers = #tpu.dot_dimension_numbers<[0], [0], [1], [1], [0, 1, 1, 1], [], []>, transpose_lhs_hint = false} : vector<64x2048xbf16>, vector<64x64xbf16>, vector<2048x64xf32> -> vector<2048x64xf32>
    %get3A_6 = arith.constant 0 : index
    %get3A_7 = arith.constant 0 : index
    %get3A_8 = vector.load %arg2[%get3A_6, %get3A_7] : memref<64x2048xf32, #tpu.memory_space<vmem>>, vector<64x2048xf32>
    %convert_element_type3A_9 = arith.truncf %get3A_8 : vector<64x2048xf32> to vector<64x2048xbf16>
    %dot_general3A_10 = arith.constant dense<0.000000e+00> : vector<2048x64xf32>
    %dot_general3A_11 = tpu.matmul %convert_element_type3A_9, %get3A_1, %dot_general3A_10 {dimension_numbers = #tpu.dot_dimension_numbers<[0], [0], [1], [1], [0, 1, 1, 1], [], []>, transpose_lhs_hint = false} : vector<64x2048xbf16>, vector<64x64xbf16>, vector<2048x64xf32> -> vector<2048x64xf32>
    %bitcast_convert_type3A = tpu.bitcast %dot_general3A_5 : vector<2048x64xf32> -> vector<2048x64xi32>
    %bitcast_convert_type3A_12 = tpu.bitcast %dot_general3A_11 : vector<2048x64xf32> -> vector<2048x64xi32>
    %shift_right_logical3A = arith.constant 16 : i32
    %shift_right_logical3A_13 = vector.broadcast %shift_right_logical3A : i32 to vector<2048x64xi32>
    %shift_right_logical3A_14 = arith.shrui %bitcast_convert_type3A, %shift_right_logical3A_13 : vector<2048x64xi32>
    %and3A = arith.constant -65536 : i32
    %and3A_15 = vector.broadcast %and3A : i32 to vector<2048x64xi32>
    %and3A_16 = arith.andi %bitcast_convert_type3A_12, %and3A_15 : vector<2048x64xi32>
    %or3A = arith.ori %shift_right_logical3A_14, %and3A_16 : vector<2048x64xi32>
    %bitcast_convert_type3A_17 = tpu.bitcast %or3A : vector<2048x64xi32> -> vector<2048x64xf32>
    %swap3A = arith.constant 0 : index
    %swap3A_18 = arith.constant 0 : index
    %swap3A_19 = vector.load %arg6[%swap3A, %swap3A_18] : memref<2048x128xf32, #tpu.memory_space<vmem>>, vector<2048x64xf32>
    tpu.vector_store %arg6[%swap3A, %swap3A_18], %bitcast_convert_type3A_17 {strides = array<i32>} : memref<2048x128xf32, #tpu.memory_space<vmem>>, vector<2048x64xf32>,
    %get3A_20 = arith.constant 0 : index
    %get3A_21 = arith.constant 0 : index
    %get3A_22 = vector.load %arg3[%get3A_20, %get3A_21] : memref<64x2048xf32, #tpu.memory_space<vmem>>, vector<64x2048xf32>
    %convert_element_type3A_23 = arith.truncf %get3A_22 : vector<64x2048xf32> to vector<64x2048xbf16>
    %dot_general3A_24 = arith.constant dense<0.000000e+00> : vector<2048x64xf32>
    %dot_general3A_25 = tpu.matmul %convert_element_type3A_23, %get3A_1, %dot_general3A_24 {dimension_numbers = #tpu.dot_dimension_numbers<[0], [0], [1], [1], [0, 1, 1, 1], [], []>, transpose_lhs_hint = false} : vector<64x2048xbf16>, vector<64x64xbf16>, vector<2048x64xf32> -> vector<2048x64xf32>
    %get3A_26 = arith.constant 0 : index
    %get3A_27 = arith.constant 0 : index
    %get3A_28 = vector.load %arg4[%get3A_26, %get3A_27] : memref<64x2048xf32, #tpu.memory_space<vmem>>, vector<64x2048xf32>
    %convert_element_type3A_29 = arith.truncf %get3A_28 : vector<64x2048xf32> to vector<64x2048xbf16>
    %dot_general3A_30 = arith.constant dense<0.000000e+00> : vector<2048x64xf32>
    %dot_general3A_31 = tpu.matmul %convert_element_type3A_29, %get3A_1, %dot_general3A_30 {dimension_numbers = #tpu.dot_dimension_numbers<[0], [0], [1], [1], [0, 1, 1, 1], [], []>, transpose_lhs_hint = false} : vector<64x2048xbf16>, vector<64x64xbf16>, vector<2048x64xf32> -> vector<2048x64xf32>
    %bitcast_convert_type3A_32 = tpu.bitcast %dot_general3A_25 : vector<2048x64xf32> -> vector<2048x64xi32>
    %bitcast_convert_type3A_33 = tpu.bitcast %dot_general3A_31 : vector<2048x64xf32> -> vector<2048x64xi32>
    %shift_right_logical3A_34 = arith.constant 16 : i32
    %shift_right_logical3A_35 = vector.broadcast %shift_right_logical3A_34 : i32 to vector<2048x64xi32>
    %shift_right_logical3A_36 = arith.shrui %bitcast_convert_type3A_32, %shift_right_logical3A_35 : vector<2048x64xi32>
    %and3A_37 = arith.constant -65536 : i32
    %and3A_38 = vector.broadcast %and3A_37 : i32 to vector<2048x64xi32>
    %and3A_39 = arith.andi %bitcast_convert_type3A_33, %and3A_38 : vector<2048x64xi32>
    %or3A_40 = arith.ori %shift_right_logical3A_36, %and3A_39 : vector<2048x64xi32>
    %bitcast_convert_type3A_41 = tpu.bitcast %or3A_40 : vector<2048x64xi32> -> vector<2048x64xf32>
    %swap3A_42 = arith.constant 0 : index
    %swap3A_43 = arith.constant 64 : index
    %swap3A_44 = vector.load %arg6[%swap3A_42, %swap3A_43] : memref<2048x128xf32, #tpu.memory_space<vmem>>, vector<2048x64xf32>
    tpu.vector_store %arg6[%swap3A_42, %swap3A_43], %bitcast_convert_type3A_41 {strides = array<i32>} : memref<2048x128xf32, #tpu.memory_space<vmem>>, vector<2048x64xf32>,
    return
  }
  func.func @transform_0(%arg0: i32) -> (i32, i32) {
    %mul3A = arith.constant 4 : i32
    %mul3A_0 = arith.muli %mul3A, %arg0 : i32
    %c0_i32 = arith.constant 0 : i32
    %c0_i32_1 = arith.constant 0 : i32
    return %c0_i32, %mul3A_0 : i32, i32
  }
  func.func @transform_1(%arg0: i32) -> (i32, i32) {
    %mul3A = arith.constant 4 : i32
    %mul3A_0 = arith.muli %mul3A, %arg0 : i32
    %add3A = arith.constant 1 : i32
    %add3A_1 = arith.addi %mul3A_0, %add3A : i32
    %c0_i32 = arith.constant 0 : i32
    %c0_i32_2 = arith.constant 0 : i32
    return %c0_i32, %add3A_1 : i32, i32
  }
  func.func @transform_2(%arg0: i32) -> (i32, i32) {
    %mul3A = arith.constant 4 : i32
    %mul3A_0 = arith.muli %mul3A, %arg0 : i32
    %add3A = arith.constant 2 : i32
    %add3A_1 = arith.addi %mul3A_0, %add3A : i32
    %c0_i32 = arith.constant 0 : i32
    %c0_i32_2 = arith.constant 0 : i32
    return %c0_i32, %add3A_1 : i32, i32
  }
  func.func @transform_3(%arg0: i32) -> (i32, i32) {
    %mul3A = arith.constant 4 : i32
    %mul3A_0 = arith.muli %mul3A, %arg0 : i32
    %add3A = arith.constant 3 : i32
    %add3A_1 = arith.addi %mul3A_0, %add3A : i32
    %c0_i32 = arith.constant 0 : i32
    %c0_i32_2 = arith.constant 0 : i32
    return %c0_i32, %add3A_1 : i32, i32
  }
  func.func @transform_4(%arg0: i32) -> (i32, i32) {
    %c0_i32 = arith.constant 0 : i32
    %c0_i32_0 = arith.constant 0 : i32
    %c0_i32_1 = arith.constant 0 : i32
    return %c0_i32, %c0_i32_0 : i32, i32
  }
  func.func @transform_5(%arg0: i32) -> (i32, i32) {
    %c0_i32 = arith.constant 0 : i32
    %c0_i32_0 = arith.constant 0 : i32
    return %arg0, %c0_i32 : i32, i32
  }
}

module attributes {stable_mosaic.version = 14 : i64} {
  func.func @_pack_body(%arg0: i32, %arg1: memref<64x2048xf32, #tpu.memory_space<vmem>>, %arg2: memref<64x2048xf32, #tpu.memory_space<vmem>>, %arg3: memref<64x2048xf32, #tpu.memory_space<vmem>>, %arg4: memref<64x2048xf32, #tpu.memory_space<vmem>>, %arg5: memref<64x64xbf16, #tpu.memory_space<vmem>>, %arg6: memref<2048x128xf32, #tpu.memory_space<vmem>>) attributes {dimension_semantics = [#tpu.dimension_semantics<arbitrary>], iteration_bounds = array<i64: 122>, scalar_prefetch = 0 : i64, scratch_operands = 0 : i64, tpu.core_type = #tpu.core_type<tc>, window_params = [{transform_indices = @transform_0, window_bounds = array<i64: 64, 2048>}, {transform_indices = @transform_1, window_bounds = array<i64: 64, 2048>}, {transform_indices = @transform_2, window_bounds = array<i64: 64, 2048>}, {transform_indices = @transform_3, window_bounds = array<i64: 64, 2048>}, {pipeline_mode = #tpu.pipeline_mode<synchronous>, transform_indices = @transform_4, window_bounds = array<i64: 64, 64>}, {transform_indices = @transform_5, window_bounds = array<i64: 2048, 128>}]} {
    %get3A = arith.constant 0 : index
    %get3A_0 = arith.constant 0 : index
    %get3A_1 = vector.load %arg5[%get3A, %get3A_0] : memref<64x64xbf16, #tpu.memory_space<vmem>>, vector<64x64xbf16>
    %get3A_2 = arith.constant 0 : index
    %get3A_3 = arith.constant 0 : index
    %get3A_4 = vector.load %arg1[%get3A_2, %get3A_3] : memref<64x2048xf32, #tpu.memory_space<vmem>>, vector<64x2048xf32>
    %convert_element_type3A = arith.truncf %get3A_4 : vector<64x2048xf32> to vector<64x2048xbf16>
    %dot_general3A = arith.constant dense<0.000000e+00> : vector<2048x64xf32>
    %dot_general3A_5 = tpu.matmul %convert_element_type3A, %get3A_1, %dot_general3A {dimension_numbers = #tpu.dot_dimension_numbers<[0], [0], [1], [1], [0, 1, 1, 1], [], []>, transpose_lhs_hint = false} : vector<64x2048xbf16>, vector<64x64xbf16>, vector<2048x64xf32> -> vector<2048x64xf32>
    %get3A_6 = arith.constant 0 : index
    %get3A_7 = arith.constant 0 : index
    %get3A_8 = vector.load %arg2[%get3A_6, %get3A_7] : memref<64x2048xf32, #tpu.memory_space<vmem>>, vector<64x2048xf32>
    %convert_element_type3A_9 = arith.truncf %get3A_8 : vector<64x2048xf32> to vector<64x2048xbf16>
    %dot_general3A_10 = arith.constant dense<0.000000e+00> : vector<2048x64xf32>
    %dot_general3A_11 = tpu.matmul %convert_element_type3A_9, %get3A_1, %dot_general3A_10 {dimension_numbers = #tpu.dot_dimension_numbers<[0], [0], [1], [1], [0, 1, 1, 1], [], []>, transpose_lhs_hint = false} : vector<64x2048xbf16>, vector<64x64xbf16>, vector<2048x64xf32> -> vector<2048x64xf32>
    %bitcast_convert_type3A = tpu.bitcast %dot_general3A_5 : vector<2048x64xf32> -> vector<2048x64xi32>
    %bitcast_convert_type3A_12 = tpu.bitcast %dot_general3A_11 : vector<2048x64xf32> -> vector<2048x64xi32>
    %shift_right_logical3A = arith.constant 16 : i32
    %shift_right_logical3A_13 = vector.broadcast %shift_right_logical3A : i32 to vector<2048x64xi32>
    %shift_right_logical3A_14 = arith.shrui %bitcast_convert_type3A, %shift_right_logical3A_13 : vector<2048x64xi32>
    %and3A = arith.constant -65536 : i32
    %and3A_15 = vector.broadcast %and3A : i32 to vector<2048x64xi32>
    %and3A_16 = arith.andi %bitcast_convert_type3A_12, %and3A_15 : vector<2048x64xi32>
    %or3A = arith.ori %shift_right_logical3A_14, %and3A_16 : vector<2048x64xi32>
    %bitcast_convert_type3A_17 = tpu.bitcast %or3A : vector<2048x64xi32> -> vector<2048x64xf32>
    %swap3A = arith.constant 0 : index
    %swap3A_18 = arith.constant 0 : index
    %swap3A_19 = vector.load %arg6[%swap3A, %swap3A_18] : memref<2048x128xf32, #tpu.memory_space<vmem>>, vector<2048x64xf32>
    tpu.vector_store %arg6[%swap3A, %swap3A_18], %bitcast_convert_type3A_17 {strides = array<i32>} : memref<2048x128xf32, #tpu.memory_space<vmem>>, vector<2048x64xf32>,
    %get3A_20 = arith.constant 0 : index
    %get3A_21 = arith.constant 0 : index
    %get3A_22 = vector.load %arg3[%get3A_20, %get3A_21] : memref<64x2048xf32, #tpu.memory_space<vmem>>, vector<64x2048xf32>
    %convert_element_type3A_23 = arith.truncf %get3A_22 : vector<64x2048xf32> to vector<64x2048xbf16>
    %dot_general3A_24 = arith.constant dense<0.000000e+00> : vector<2048x64xf32>
    %dot_general3A_25 = tpu.matmul %convert_element_type3A_23, %get3A_1, %dot_general3A_24 {dimension_numbers = #tpu.dot_dimension_numbers<[0], [0], [1], [1], [0, 1, 1, 1], [], []>, transpose_lhs_hint = false} : vector<64x2048xbf16>, vector<64x64xbf16>, vector<2048x64xf32> -> vector<2048x64xf32>
    %get3A_26 = arith.constant 0 : index
    %get3A_27 = arith.constant 0 : index
    %get3A_28 = vector.load %arg4[%get3A_26, %get3A_27] : memref<64x2048xf32, #tpu.memory_space<vmem>>, vector<64x2048xf32>
    %convert_element_type3A_29 = arith.truncf %get3A_28 : vector<64x2048xf32> to vector<64x2048xbf16>
    %dot_general3A_30 = arith.constant dense<0.000000e+00> : vector<2048x64xf32>
    %dot_general3A_31 = tpu.matmul %convert_element_type3A_29, %get3A_1, %dot_general3A_30 {dimension_numbers = #tpu.dot_dimension_numbers<[0], [0], [1], [1], [0, 1, 1, 1], [], []>, transpose_lhs_hint = false} : vector<64x2048xbf16>, vector<64x64xbf16>, vector<2048x64xf32> -> vector<2048x64xf32>
    %bitcast_convert_type3A_32 = tpu.bitcast %dot_general3A_25 : vector<2048x64xf32> -> vector<2048x64xi32>
    %bitcast_convert_type3A_33 = tpu.bitcast %dot_general3A_31 : vector<2048x64xf32> -> vector<2048x64xi32>
    %shift_right_logical3A_34 = arith.constant 16 : i32
    %shift_right_logical3A_35 = vector.broadcast %shift_right_logical3A_34 : i32 to vector<2048x64xi32>
    %shift_right_logical3A_36 = arith.shrui %bitcast_convert_type3A_32, %shift_right_logical3A_35 : vector<2048x64xi32>
    %and3A_37 = arith.constant -65536 : i32
    %and3A_38 = vector.broadcast %and3A_37 : i32 to vector<2048x64xi32>
    %and3A_39 = arith.andi %bitcast_convert_type3A_33, %and3A_38 : vector<2048x64xi32>
    %or3A_40 = arith.ori %shift_right_logical3A_36, %and3A_39 : vector<2048x64xi32>
    %bitcast_convert_type3A_41 = tpu.bitcast %or3A_40 : vector<2048x64xi32> -> vector<2048x64xf32>
    %swap3A_42 = arith.constant 0 : index
    %swap3A_43 = arith.constant 64 : index
    %swap3A_44 = vector.load %arg6[%swap3A_42, %swap3A_43] : memref<2048x128xf32, #tpu.memory_space<vmem>>, vector<2048x64xf32>
    tpu.vector_store %arg6[%swap3A_42, %swap3A_43], %bitcast_convert_type3A_41 {strides = array<i32>} : memref<2048x128xf32, #tpu.memory_space<vmem>>, vector<2048x64xf32>,
    return
  }
  func.func @transform_0(%arg0: i32) -> (i32, i32) {
    %mul3A = arith.constant 4 : i32
    %mul3A_0 = arith.muli %mul3A, %arg0 : i32
    %c0_i32 = arith.constant 0 : i32
    %c0_i32_1 = arith.constant 0 : i32
    return %c0_i32, %mul3A_0 : i32, i32
  }
  func.func @transform_1(%arg0: i32) -> (i32, i32) {
    %mul3A = arith.constant 4 : i32
    %mul3A_0 = arith.muli %mul3A, %arg0 : i32
    %add3A = arith.constant 1 : i32
    %add3A_1 = arith.addi %mul3A_0, %add3A : i32
    %c0_i32 = arith.constant 0 : i32
    %c0_i32_2 = arith.constant 0 : i32
    return %c0_i32, %add3A_1 : i32, i32
  }
  func.func @transform_2(%arg0: i32) -> (i32, i32) {
    %mul3A = arith.constant 4 : i32
    %mul3A_0 = arith.muli %mul3A, %arg0 : i32
    %add3A = arith.constant 2 : i32
    %add3A_1 = arith.addi %mul3A_0, %add3A : i32
    %c0_i32 = arith.constant 0 : i32
    %c0_i32_2 = arith.constant 0 : i32
    return %c0_i32, %add3A_1 : i32, i32
  }
  func.func @transform_3(%arg0: i32) -> (i32, i32) {
    %mul3A = arith.constant 4 : i32
    %mul3A_0 = arith.muli %mul3A, %arg0 : i32
    %add3A = arith.constant 3 : i32
    %add3A_1 = arith.addi %mul3A_0, %add3A : i32
    %c0_i32 = arith.constant 0 : i32
    %c0_i32_2 = arith.constant 0 : i32
    return %c0_i32, %add3A_1 : i32, i32
  }
  func.func @transform_4(%arg0: i32) -> (i32, i32) {
    %c0_i32 = arith.constant 0 : i32
    %c0_i32_0 = arith.constant 0 : i32
    %c0_i32_1 = arith.constant 0 : i32
    return %c0_i32, %c0_i32_0 : i32, i32
  }
  func.func @transform_5(%arg0: i32) -> (i32, i32) {
    %c0_i32 = arith.constant 0 : i32
    %c0_i32_0 = arith.constant 0 : i32
    return %arg0, %c0_i32 : i32, i32
  }
}

module attributes {stable_mosaic.version = 14 : i64} {
  func.func @_tail_body(%arg0: i32, %arg1: memref<64x128xf32, #tpu.memory_space<vmem>>, %arg2: memref<64x64xbf16, #tpu.memory_space<vmem>>, %arg3: memref<25472x128xf32, #tpu.memory_space<any>>, %arg4: memref<64x128xf32, #tpu.memory_space<vmem>>) attributes {dimension_semantics = [#tpu.dimension_semantics<arbitrary>], iteration_bounds = array<i64: 14>, scalar_prefetch = 0 : i64, scratch_operands = 0 : i64, tpu.core_type = #tpu.core_type<tc>, window_params = [{transform_indices = @transform_0, window_bounds = array<i64: 64, 128>}, {pipeline_mode = #tpu.pipeline_mode<synchronous>, transform_indices = @transform_1, window_bounds = array<i64: 64, 64>}, {}, {transform_indices = @transform_3, window_bounds = array<i64: 64, 128>}]} {
    %get3A = arith.constant 0 : index
    %get3A_0 = arith.constant 0 : index
    %get3A_1 = vector.load %arg2[%get3A, %get3A_0] : memref<64x64xbf16, #tpu.memory_space<vmem>>, vector<64x64xbf16>
    %get3A_2 = arith.constant 0 : index
    %get3A_3 = arith.constant 0 : index
    %get3A_4 = vector.load %arg1[%get3A_2, %get3A_3] : memref<64x128xf32, #tpu.memory_space<vmem>>, vector<64x128xf32>
    %convert_element_type3A = arith.truncf %get3A_4 : vector<64x128xf32> to vector<64x128xbf16>
    %dot_general3A = arith.constant dense<0.000000e+00> : vector<128x64xf32>
    %dot_general3A_5 = tpu.matmul %convert_element_type3A, %get3A_1, %dot_general3A {dimension_numbers = #tpu.dot_dimension_numbers<[0], [0], [1], [1], [0, 1, 1, 1], [], []>, transpose_lhs_hint = false} : vector<64x128xbf16>, vector<64x64xbf16>, vector<128x64xf32> -> vector<128x64xf32>
    %slice3A = vector.extract_strided_slice %dot_general3A_5 {offsets = [0, 0], sizes = [64, 64], strides = [1, 1]} : vector<128x64xf32> to vector<64x64xf32>
    %bitcast_convert_type3A = tpu.bitcast %slice3A : vector<64x64xf32> -> vector<64x64xi32>
    %slice3A_6 = vector.extract_strided_slice %dot_general3A_5 {offsets = [64, 0], sizes = [64, 64], strides = [1, 1]} : vector<128x64xf32> to vector<64x64xf32>
    %bitcast_convert_type3A_7 = tpu.bitcast %slice3A_6 : vector<64x64xf32> -> vector<64x64xi32>
    %shift_right_logical3A = arith.constant 16 : i32
    %shift_right_logical3A_8 = vector.broadcast %shift_right_logical3A : i32 to vector<64x64xi32>
    %shift_right_logical3A_9 = arith.shrui %bitcast_convert_type3A, %shift_right_logical3A_8 : vector<64x64xi32>
    %and3A = arith.constant -65536 : i32
    %and3A_10 = vector.broadcast %and3A : i32 to vector<64x64xi32>
    %and3A_11 = arith.andi %bitcast_convert_type3A_7, %and3A_10 : vector<64x64xi32>
    %or3A = arith.ori %shift_right_logical3A_9, %and3A_11 : vector<64x64xi32>
    %bitcast_convert_type3A_12 = tpu.bitcast %or3A : vector<64x64xi32> -> vector<64x64xf32>
    %swap3A = arith.constant 0 : index
    %swap3A_13 = arith.constant 0 : index
    %swap3A_14 = vector.load %arg4[%swap3A, %swap3A_13] : memref<64x128xf32, #tpu.memory_space<vmem>>, vector<64x64xf32>
    tpu.vector_store %arg4[%swap3A, %swap3A_13], %bitcast_convert_type3A_12 {strides = array<i32>} : memref<64x128xf32, #tpu.memory_space<vmem>>, vector<64x64xf32>,
    %broadcast_in_dim3A = arith.constant 0.000000e+00 : f32
    %broadcast_in_dim3A_15 = vector.broadcast %broadcast_in_dim3A : f32 to vector<64x64xf32>
    %swap3A_16 = arith.constant 0 : index
    %swap3A_17 = arith.constant 64 : index
    %swap3A_18 = vector.load %arg4[%swap3A_16, %swap3A_17] : memref<64x128xf32, #tpu.memory_space<vmem>>, vector<64x64xf32>
    tpu.vector_store %arg4[%swap3A_16, %swap3A_17], %broadcast_in_dim3A_15 {strides = array<i32>} : memref<64x128xf32, #tpu.memory_space<vmem>>, vector<64x64xf32>,
    return
  }
  func.func @transform_0(%arg0: i32) -> (i32, i32) {
    %add3A = arith.constant 768 : i32
    %add3A_0 = arith.addi %add3A, %arg0 : i32
    %c0_i32 = arith.constant 0 : i32
    %c0_i32_1 = arith.constant 0 : i32
    return %c0_i32, %add3A_0 : i32, i32
  }
  func.func @transform_1(%arg0: i32) -> (i32, i32) {
    %c0_i32 = arith.constant 0 : i32
    %c0_i32_0 = arith.constant 0 : i32
    %c0_i32_1 = arith.constant 0 : i32
    return %c0_i32, %c0_i32_0 : i32, i32
  }
  func.func @transform_3(%arg0: i32) -> (i32, i32) {
    %add3A = arith.constant 384 : i32
    %add3A_0 = arith.addi %add3A, %arg0 : i32
    %c0_i32 = arith.constant 0 : i32
    %c0_i32_1 = arith.constant 0 : i32
    return %add3A_0, %c0_i32 : i32, i32
  }
}

module attributes {stable_mosaic.version = 14 : i64} {
  func.func @_dense_body(%arg0: i32, %arg1: memref<2048x128xf32, #tpu.memory_space<vmem>>, %arg2: memref<2048x128xf32, #tpu.memory_space<vmem>>, %arg3: memref<2048x1xi32, #tpu.memory_space<vmem>>, %arg4: memref<64x2xf32, #tpu.memory_space<vmem>>, %arg5: memref<1x2xf32, #tpu.memory_space<vmem>>, %arg6: memref<64x1xf32, #tpu.memory_space<vmem>>, %arg7: memref<1x1xf32, #tpu.memory_space<vmem>>, %arg8: memref<64x64xf32, #tpu.memory_space<vmem>>, %arg9: memref<64x64xf32, #tpu.memory_space<vmem>>, %arg10: memref<1x64xf32, #tpu.memory_space<vmem>>, %arg11: memref<64x1xf32, #tpu.memory_space<vmem>>, %arg12: memref<1x1xf32, #tpu.memory_space<vmem>>, %arg13: memref<1x2048xf32, #tpu.memory_space<vmem>>, %arg14: memref<2x2048xf32, #tpu.memory_space<vmem>>, %arg15: memref<1x2048xf32, #tpu.memory_space<vmem>>, %arg16: memref<3x2048xf32, #tpu.memory_space<vmem>>) attributes {dimension_semantics = [#tpu.dimension_semantics<arbitrary>], iteration_bounds = array<i64: 8>, scalar_prefetch = 0 : i64, scratch_operands = 0 : i64, tpu.core_type = #tpu.core_type<tc>, window_params = [{transform_indices = @transform_0, window_bounds = array<i64: 2048, 128>}, {transform_indices = @transform_1, window_bounds = array<i64: 2048, 128>}, {transform_indices = @transform_2, window_bounds = array<i64: 2048, 1>}, {pipeline_mode = #tpu.pipeline_mode<synchronous>, transform_indices = @transform_3, window_bounds = array<i64: 64, 2>}, {pipeline_mode = #tpu.pipeline_mode<synchronous>, transform_indices = @transform_4, window_bounds = array<i64: 1, 2>}, {pipeline_mode = #tpu.pipeline_mode<synchronous>, transform_indices = @transform_5, window_bounds = array<i64: 64, 1>}, {pipeline_mode = #tpu.pipeline_mode<synchronous>, transform_indices = @transform_6, window_bounds = array<i64: 1, 1>}, {pipeline_mode = #tpu.pipeline_mode<synchronous>, transform_indices = @transform_7, window_bounds = array<i64: 64, 64>}, {pipeline_mode = #tpu.pipeline_mode<synchronous>, transform_indices = @transform_8, window_bounds = array<i64: 64, 64>}, {pipeline_mode = #tpu.pipeline_mode<synchronous>, transform_indices = @transform_9, window_bounds = array<i64: 1, 64>}, {pipeline_mode = #tpu.pipeline_mode<synchronous>, transform_indices = @transform_10, window_bounds = array<i64: 64, 1>}, {pipeline_mode = #tpu.pipeline_mode<synchronous>, transform_indices = @transform_11, window_bounds = array<i64: 1, 1>}, {transform_indices = @transform_12, window_bounds = array<i64: 1, 2048>}, {transform_indices = @transform_13, window_bounds = array<i64: 2, 2048>}, {transform_indices = @transform_14, window_bounds = array<i64: 1, 2048>}, {transform_indices = @transform_15, window_bounds = array<i64: 3, 2048>}]} {
    %get3A = arith.constant 0 : index
    %get3A_0 = arith.constant 0 : index
    %get3A_1 = vector.load %arg3[%get3A, %get3A_0] : memref<2048x1xi32, #tpu.memory_space<vmem>>, vector<2048x1xi32>
    %jit3A = arith.constant 4 : i32
    %eq3A = arith.constant 0 : i32
    %eq3A_2 = arith.cmpi eq, %jit3A, %eq3A : i32
    %jit3A_3 = arith.constant 1 : i32
    %select_n3A = arith.select %eq3A_2, %jit3A_3, %jit3A : i32
    %rem3A = vector.broadcast %select_n3A : i32 to vector<2048x1xi32>
    %rem3A_4 = arith.remsi %get3A_1, %rem3A : vector<2048x1xi32>
    %ne3A = arith.constant 0 : i32
    %ne3A_5 = vector.broadcast %ne3A : i32 to vector<2048x1xi32>
    %ne3A_6 = arith.cmpi ne, %rem3A_4, %ne3A_5 : vector<2048x1xi32>
    %lt3A = arith.constant 0 : i32
    %lt3A_7 = vector.broadcast %lt3A : i32 to vector<2048x1xi32>
    %lt3A_8 = arith.cmpi slt, %rem3A_4, %lt3A_7 : vector<2048x1xi32>
    %lt3A_9 = arith.constant 0 : i32
    %lt3A_10 = arith.cmpi slt, %select_n3A, %lt3A_9 : i32
    %ne3A_11 = vector.broadcast %lt3A_10 : i1 to vector<2048x1xi1>
    %ne3A_12 = vector.broadcast %ne3A_11 : vector<2048x1xi1> to vector<2048x1xi1>
    %ne3A_13 = arith.xori %lt3A_8, %ne3A_12 : vector<2048x1xi1>
    %and3A = arith.andi %ne3A_13, %ne3A_6 : vector<2048x1xi1>
    %add3A = vector.broadcast %select_n3A : i32 to vector<2048x1xi32>
    %add3A_14 = arith.addi %rem3A_4, %add3A : vector<2048x1xi32>
    %select_n3A_15 = arith.select %and3A, %add3A_14, %rem3A_4 : vector<2048x1xi1>, vector<2048x1xi32>
    %ge3A = arith.constant 2 : i32
    %ge3A_16 = vector.broadcast %ge3A : i32 to vector<2048x1xi32>
    %ge3A_17 = arith.cmpi sge, %select_n3A_15, %ge3A_16 : vector<2048x1xi32>
    %get3A_18 = arith.constant 0 : index
    %get3A_19 = arith.constant 64 : index
    %get3A_20 = vector.load %arg1[%get3A_18, %get3A_19] : memref<2048x128xf32, #tpu.memory_space<vmem>>, vector<2048x64xf32>
    %get3A_21 = arith.constant 0 : index
    %get3A_22 = arith.constant 0 : index
    %get3A_23 = vector.load %arg1[%get3A_21, %get3A_22] : memref<2048x128xf32, #tpu.memory_space<vmem>>, vector<2048x64xf32>
    %broadcast_in_dim3A = vector.shape_cast %ge3A_17 : vector<2048x1xi1> to vector<2048x1xi1>
    %broadcast_in_dim3A_24 = vector.broadcast %broadcast_in_dim3A : vector<2048x1xi1> to vector<2048x64xi1>
    %select_n3A_25 = arith.select %broadcast_in_dim3A_24, %get3A_20, %get3A_23 : vector<2048x64xi1>, vector<2048x64xf32>
    %bitcast_convert_type3A = tpu.bitcast %select_n3A_25 : vector<2048x64xf32> -> vector<2048x64xi32>
    %jit3A_26 = arith.constant 2 : i32
    %eq3A_27 = arith.constant 0 : i32
    %eq3A_28 = arith.cmpi eq, %jit3A_26, %eq3A_27 : i32
    %jit3A_29 = arith.constant 1 : i32
    %select_n3A_30 = arith.select %eq3A_28, %jit3A_29, %jit3A_26 : i32
    %rem3A_31 = vector.broadcast %select_n3A_30 : i32 to vector<2048x1xi32>
    %rem3A_32 = arith.remsi %select_n3A_15, %rem3A_31 : vector<2048x1xi32>
    %ne3A_33 = arith.constant 0 : i32
    %ne3A_34 = vector.broadcast %ne3A_33 : i32 to vector<2048x1xi32>
    %ne3A_35 = arith.cmpi ne, %rem3A_32, %ne3A_34 : vector<2048x1xi32>
    %lt3A_36 = arith.constant 0 : i32
    %lt3A_37 = vector.broadcast %lt3A_36 : i32 to vector<2048x1xi32>
    %lt3A_38 = arith.cmpi slt, %rem3A_32, %lt3A_37 : vector<2048x1xi32>
    %lt3A_39 = arith.constant 0 : i32
    %lt3A_40 = arith.cmpi slt, %select_n3A_30, %lt3A_39 : i32
    %ne3A_41 = vector.broadcast %lt3A_40 : i1 to vector<2048x1xi1>
    %ne3A_42 = vector.broadcast %ne3A_41 : vector<2048x1xi1> to vector<2048x1xi1>
    %ne3A_43 = arith.xori %lt3A_38, %ne3A_42 : vector<2048x1xi1>
    %and3A_44 = arith.andi %ne3A_43, %ne3A_35 : vector<2048x1xi1>
    %add3A_45 = vector.broadcast %select_n3A_30 : i32 to vector<2048x1xi32>
    %add3A_46 = arith.addi %rem3A_32, %add3A_45 : vector<2048x1xi32>
    %select_n3A_47 = arith.select %and3A_44, %add3A_46, %rem3A_32 : vector<2048x1xi1>, vector<2048x1xi32>
    %eq3A_48 = arith.constant 1 : i32
    %eq3A_49 = vector.broadcast %eq3A_48 : i32 to vector<2048x1xi32>
    %eq3A_50 = arith.cmpi eq, %select_n3A_47, %eq3A_49 : vector<2048x1xi32>
    %and3A_51 = arith.constant -65536 : i32
    %and3A_52 = vector.broadcast %and3A_51 : i32 to vector<2048x64xi32>
    %and3A_53 = arith.andi %bitcast_convert_type3A, %and3A_52 : vector<2048x64xi32>
    %shift_left3A = arith.constant 16 : i32
    %shift_left3A_54 = vector.broadcast %shift_left3A : i32 to vector<2048x64xi32>
    %shift_left3A_55 = arith.shli %bitcast_convert_type3A, %shift_left3A_54 : vector<2048x64xi32>
    %broadcast_in_dim3A_56 = vector.shape_cast %eq3A_50 : vector<2048x1xi1> to vector<2048x1xi1>
    %broadcast_in_dim3A_57 = vector.broadcast %broadcast_in_dim3A_56 : vector<2048x1xi1> to vector<2048x64xi1>
    %select_n3A_58 = arith.select %broadcast_in_dim3A_57, %and3A_53, %shift_left3A_55 : vector<2048x64xi1>, vector<2048x64xi32>
    %bitcast_convert_type3A_59 = tpu.bitcast %select_n3A_58 : vector<2048x64xi32> -> vector<2048x64xf32>
    %convert_element_type3A = arith.truncf %bitcast_convert_type3A_59 : vector<2048x64xf32> to vector<2048x64xbf16>
    %jit3A_60 = arith.constant 4 : i32
    %div3A = vector.broadcast %jit3A_60 : i32 to vector<2048x1xi32>
    %div3A_61 = arith.divsi %get3A_1, %div3A : vector<2048x1xi32>
    %sign3A = arith.constant 0 : i32
    %sign3A_62 = vector.broadcast %sign3A : i32 to vector<2048x1xi32>
    %sign3A_63 = arith.cmpi sgt, %get3A_1, %sign3A_62 : vector<2048x1xi32>
    %sign3A_64 = arith.extui %sign3A_63 : vector<2048x1xi1> to vector<2048x1xi32>
    %sign3A_65 = arith.constant 0 : i32
    %sign3A_66 = vector.broadcast %sign3A_65 : i32 to vector<2048x1xi32>
    %sign3A_67 = arith.cmpi slt, %get3A_1, %sign3A_66 : vector<2048x1xi32>
    %sign3A_68 = arith.extui %sign3A_67 : vector<2048x1xi1> to vector<2048x1xi32>
    %sign3A_69 = arith.subi %sign3A_64, %sign3A_68 : vector<2048x1xi32>
    %sign3A_70 = arith.constant 0 : i32
    %sign3A_71 = arith.cmpi sgt, %jit3A_60, %sign3A_70 : i32
    %sign3A_72 = arith.extui %sign3A_71 : i1 to i32
    %sign3A_73 = arith.constant 0 : i32
    %sign3A_74 = arith.cmpi slt, %jit3A_60, %sign3A_73 : i32
    %sign3A_75 = arith.extui %sign3A_74 : i1 to i32
    %sign3A_76 = arith.subi %sign3A_72, %sign3A_75 : i32
    %ne3A_77 = vector.broadcast %sign3A_76 : i32 to vector<2048x1xi32>
    %ne3A_78 = arith.cmpi ne, %sign3A_69, %ne3A_77 : vector<2048x1xi32>
    %rem3A_79 = vector.broadcast %jit3A_60 : i32 to vector<2048x1xi32>
    %rem3A_80 = arith.remsi %get3A_1, %rem3A_79 : vector<2048x1xi32>
    %ne3A_81 = arith.constant 0 : i32
    %ne3A_82 = vector.broadcast %ne3A_81 : i32 to vector<2048x1xi32>
    %ne3A_83 = arith.cmpi ne, %rem3A_80, %ne3A_82 : vector<2048x1xi32>
    %and3A_84 = arith.andi %ne3A_78, %ne3A_83 : vector<2048x1xi1>
    %sub3A = arith.constant 1 : i32
    %sub3A_85 = vector.broadcast %sub3A : i32 to vector<2048x1xi32>
    %sub3A_86 = arith.subi %div3A_61, %sub3A_85 : vector<2048x1xi32>
    %select_n3A_87 = arith.select %and3A_84, %sub3A_86, %div3A_61 : vector<2048x1xi1>, vector<2048x1xi32>
    %ge3A_88 = arith.constant 2 : i32
    %ge3A_89 = vector.broadcast %ge3A_88 : i32 to vector<2048x1xi32>
    %ge3A_90 = arith.cmpi sge, %select_n3A_87, %ge3A_89 : vector<2048x1xi32>
    %get3A_91 = arith.constant 0 : index
    %get3A_92 = arith.constant 64 : index
    %get3A_93 = vector.load %arg2[%get3A_91, %get3A_92] : memref<2048x128xf32, #tpu.memory_space<vmem>>, vector<2048x64xf32>
    %get3A_94 = arith.constant 0 : index
    %get3A_95 = arith.constant 0 : index
    %get3A_96 = vector.load %arg2[%get3A_94, %get3A_95] : memref<2048x128xf32, #tpu.memory_space<vmem>>, vector<2048x64xf32>
    %broadcast_in_dim3A_97 = vector.shape_cast %ge3A_90 : vector<2048x1xi1> to vector<2048x1xi1>
    %broadcast_in_dim3A_98 = vector.broadcast %broadcast_in_dim3A_97 : vector<2048x1xi1> to vector<2048x64xi1>
    %select_n3A_99 = arith.select %broadcast_in_dim3A_98, %get3A_93, %get3A_96 : vector<2048x64xi1>, vector<2048x64xf32>
    %bitcast_convert_type3A_100 = tpu.bitcast %select_n3A_99 : vector<2048x64xf32> -> vector<2048x64xi32>
    %jit3A_101 = arith.constant 2 : i32
    %eq3A_102 = arith.constant 0 : i32
    %eq3A_103 = arith.cmpi eq, %jit3A_101, %eq3A_102 : i32
    %jit3A_104 = arith.constant 1 : i32
    %select_n3A_105 = arith.select %eq3A_103, %jit3A_104, %jit3A_101 : i32
    %rem3A_106 = vector.broadcast %select_n3A_105 : i32 to vector<2048x1xi32>
    %rem3A_107 = arith.remsi %select_n3A_87, %rem3A_106 : vector<2048x1xi32>
    %ne3A_108 = arith.constant 0 : i32
    %ne3A_109 = vector.broadcast %ne3A_108 : i32 to vector<2048x1xi32>
    %ne3A_110 = arith.cmpi ne, %rem3A_107, %ne3A_109 : vector<2048x1xi32>
    %lt3A_111 = arith.constant 0 : i32
    %lt3A_112 = vector.broadcast %lt3A_111 : i32 to vector<2048x1xi32>
    %lt3A_113 = arith.cmpi slt, %rem3A_107, %lt3A_112 : vector<2048x1xi32>
    %lt3A_114 = arith.constant 0 : i32
    %lt3A_115 = arith.cmpi slt, %select_n3A_105, %lt3A_114 : i32
    %ne3A_116 = vector.broadcast %lt3A_115 : i1 to vector<2048x1xi1>
    %ne3A_117 = vector.broadcast %ne3A_116 : vector<2048x1xi1> to vector<2048x1xi1>
    %ne3A_118 = arith.xori %lt3A_113, %ne3A_117 : vector<2048x1xi1>
    %and3A_119 = arith.andi %ne3A_118, %ne3A_110 : vector<2048x1xi1>
    %add3A_120 = vector.broadcast %select_n3A_105 : i32 to vector<2048x1xi32>
    %add3A_121 = arith.addi %rem3A_107, %add3A_120 : vector<2048x1xi32>
    %select_n3A_122 = arith.select %and3A_119, %add3A_121, %rem3A_107 : vector<2048x1xi1>, vector<2048x1xi32>
    %eq3A_123 = arith.constant 1 : i32
    %eq3A_124 = vector.broadcast %eq3A_123 : i32 to vector<2048x1xi32>
    %eq3A_125 = arith.cmpi eq, %select_n3A_122, %eq3A_124 : vector<2048x1xi32>
    %and3A_126 = arith.constant -65536 : i32
    %and3A_127 = vector.broadcast %and3A_126 : i32 to vector<2048x64xi32>
    %and3A_128 = arith.andi %bitcast_convert_type3A_100, %and3A_127 : vector<2048x64xi32>
    %shift_left3A_129 = arith.constant 16 : i32
    %shift_left3A_130 = vector.broadcast %shift_left3A_129 : i32 to vector<2048x64xi32>
    %shift_left3A_131 = arith.shli %bitcast_convert_type3A_100, %shift_left3A_130 : vector<2048x64xi32>
    %broadcast_in_dim3A_132 = vector.shape_cast %eq3A_125 : vector<2048x1xi1> to vector<2048x1xi1>
    %broadcast_in_dim3A_133 = vector.broadcast %broadcast_in_dim3A_132 : vector<2048x1xi1> to vector<2048x64xi1>
    %select_n3A_134 = arith.select %broadcast_in_dim3A_133, %and3A_128, %shift_left3A_131 : vector<2048x64xi1>, vector<2048x64xi32>
    %bitcast_convert_type3A_135 = tpu.bitcast %select_n3A_134 : vector<2048x64xi32> -> vector<2048x64xf32>
    %convert_element_type3A_136 = arith.truncf %bitcast_convert_type3A_135 : vector<2048x64xf32> to vector<2048x64xbf16>
    %get3A_137 = arith.constant 0 : index
    %get3A_138 = arith.constant 0 : index
    %get3A_139 = vector.load %arg4[%get3A_137, %get3A_138] : memref<64x2xf32, #tpu.memory_space<vmem>>, vector<64x2xf32>
    %convert_element_type3A_140 = arith.truncf %get3A_139 : vector<64x2xf32> to vector<64x2xbf16>
    %dot_general3A = arith.constant dense<0.000000e+00> : vector<2048x2xf32>
    %dot_general3A_141 = tpu.matmul %convert_element_type3A, %convert_element_type3A_140, %dot_general3A {dimension_numbers = #tpu.dot_dimension_numbers<[1], [0], [0], [1], [0, 0, 1, 1], [], []>, transpose_lhs_hint = false} : vector<2048x64xbf16>, vector<64x2xbf16>, vector<2048x2xf32> -> vector<2048x2xf32>
    %get3A_142 = arith.constant 0 : index
    %get3A_143 = arith.constant 0 : index
    %get3A_144 = vector.load %arg5[%get3A_142, %get3A_143] : memref<1x2xf32, #tpu.memory_space<vmem>>, vector<1x2xf32>
    %add3A_145 = vector.broadcast %get3A_144 : vector<1x2xf32> to vector<2048x2xf32>
    %add3A_146 = arith.addf %dot_general3A_141, %add3A_145 : vector<2048x2xf32>
    %logistic3A = arith.negf %add3A_146 : vector<2048x2xf32>
    %logistic3A_147 = math.exp %logistic3A : vector<2048x2xf32>
    %logistic3A_148 = arith.constant 1.000000e+00 : f32
    %logistic3A_149 = vector.broadcast %logistic3A_148 : f32 to vector<2048x2xf32>
    %logistic3A_150 = arith.addf %logistic3A_149, %logistic3A_147 : vector<2048x2xf32>
    %logistic3A_151 = arith.divf %logistic3A_149, %logistic3A_150 : vector<2048x2xf32>
    %get3A_152 = arith.constant 0 : index
    %get3A_153 = arith.constant 0 : index
    %get3A_154 = vector.load %arg6[%get3A_152, %get3A_153] : memref<64x1xf32, #tpu.memory_space<vmem>>, vector<64x1xf32>
    %convert_element_type3A_155 = arith.truncf %get3A_154 : vector<64x1xf32> to vector<64x1xbf16>
    %dot_general3A_156 = arith.constant dense<0.000000e+00> : vector<2048x1xf32>
    %dot_general3A_157 = tpu.matmul %convert_element_type3A_136, %convert_element_type3A_155, %dot_general3A_156 {dimension_numbers = #tpu.dot_dimension_numbers<[1], [0], [0], [1], [0, 0, 1, 1], [], []>, transpose_lhs_hint = false} : vector<2048x64xbf16>, vector<64x1xbf16>, vector<2048x1xf32> -> vector<2048x1xf32>
    %get3A_158 = arith.constant 0 : index
    %get3A_159 = arith.constant 0 : index
    %get3A_160 = vector.load %arg7[%get3A_158, %get3A_159] : memref<1x1xf32, #tpu.memory_space<vmem>>, vector<1x1xf32>
    %add3A_161 = vector.broadcast %get3A_160 : vector<1x1xf32> to vector<2048x1xf32>
    %add3A_162 = arith.addf %dot_general3A_157, %add3A_161 : vector<2048x1xf32>
    %logistic3A_163 = arith.negf %add3A_162 : vector<2048x1xf32>
    %logistic3A_164 = math.exp %logistic3A_163 : vector<2048x1xf32>
    %logistic3A_165 = arith.constant 1.000000e+00 : f32
    %logistic3A_166 = vector.broadcast %logistic3A_165 : f32 to vector<2048x1xf32>
    %logistic3A_167 = arith.addf %logistic3A_166, %logistic3A_164 : vector<2048x1xf32>
    %logistic3A_168 = arith.divf %logistic3A_166, %logistic3A_167 : vector<2048x1xf32>
    %get3A_169 = arith.constant 0 : index
    %get3A_170 = arith.constant 0 : index
    %get3A_171 = vector.load %arg8[%get3A_169, %get3A_170] : memref<64x64xf32, #tpu.memory_space<vmem>>, vector<64x64xf32>
    %convert_element_type3A_172 = arith.truncf %get3A_171 : vector<64x64xf32> to vector<64x64xbf16>
    %dot_general3A_173 = arith.constant dense<0.000000e+00> : vector<2048x64xf32>
    %dot_general3A_174 = tpu.matmul %convert_element_type3A, %convert_element_type3A_172, %dot_general3A_173 {dimension_numbers = #tpu.dot_dimension_numbers<[1], [0], [0], [1], [0, 0, 1, 1], [], []>, transpose_lhs_hint = false} : vector<2048x64xbf16>, vector<64x64xbf16>, vector<2048x64xf32> -> vector<2048x64xf32>
    %get3A_175 = arith.constant 0 : index
    %get3A_176 = arith.constant 0 : index
    %get3A_177 = vector.load %arg9[%get3A_175, %get3A_176] : memref<64x64xf32, #tpu.memory_space<vmem>>, vector<64x64xf32>
    %convert_element_type3A_178 = arith.truncf %get3A_177 : vector<64x64xf32> to vector<64x64xbf16>
    %dot_general3A_179 = arith.constant dense<0.000000e+00> : vector<2048x64xf32>
    %dot_general3A_180 = tpu.matmul %convert_element_type3A_136, %convert_element_type3A_178, %dot_general3A_179 {dimension_numbers = #tpu.dot_dimension_numbers<[1], [0], [0], [1], [0, 0, 1, 1], [], []>, transpose_lhs_hint = false} : vector<2048x64xbf16>, vector<64x64xbf16>, vector<2048x64xf32> -> vector<2048x64xf32>
    %add3A_181 = arith.addf %dot_general3A_174, %dot_general3A_180 : vector<2048x64xf32>
    %get3A_182 = arith.constant 0 : index
    %get3A_183 = arith.constant 0 : index
    %get3A_184 = vector.load %arg10[%get3A_182, %get3A_183] : memref<1x64xf32, #tpu.memory_space<vmem>>, vector<1x64xf32>
    %add3A_185 = vector.broadcast %get3A_184 : vector<1x64xf32> to vector<2048x64xf32>
    %add3A_186 = arith.addf %add3A_181, %add3A_185 : vector<2048x64xf32>
    %tanh3A = math.tanh %add3A_186 : vector<2048x64xf32>
    %convert_element_type3A_187 = arith.truncf %tanh3A : vector<2048x64xf32> to vector<2048x64xbf16>
    %get3A_188 = arith.constant 0 : index
    %get3A_189 = arith.constant 0 : index
    %get3A_190 = vector.load %arg11[%get3A_188, %get3A_189] : memref<64x1xf32, #tpu.memory_space<vmem>>, vector<64x1xf32>
    %convert_element_type3A_191 = arith.truncf %get3A_190 : vector<64x1xf32> to vector<64x1xbf16>
    %dot_general3A_192 = arith.constant dense<0.000000e+00> : vector<2048x1xf32>
    %dot_general3A_193 = tpu.matmul %convert_element_type3A_187, %convert_element_type3A_191, %dot_general3A_192 {dimension_numbers = #tpu.dot_dimension_numbers<[1], [0], [0], [1], [0, 0, 1, 1], [], []>, transpose_lhs_hint = false} : vector<2048x64xbf16>, vector<64x1xbf16>, vector<2048x1xf32> -> vector<2048x1xf32>
    %get3A_194 = arith.constant 0 : index
    %get3A_195 = arith.constant 0 : index
    %get3A_196 = vector.load %arg12[%get3A_194, %get3A_195] : memref<1x1xf32, #tpu.memory_space<vmem>>, vector<1x1xf32>
    %add3A_197 = vector.broadcast %get3A_196 : vector<1x1xf32> to vector<2048x1xf32>
    %add3A_198 = arith.addf %dot_general3A_193, %add3A_197 : vector<2048x1xf32>
    %logistic3A_199 = arith.negf %add3A_198 : vector<2048x1xf32>
    %logistic3A_200 = math.exp %logistic3A_199 : vector<2048x1xf32>
    %logistic3A_201 = arith.constant 1.000000e+00 : f32
    %logistic3A_202 = vector.broadcast %logistic3A_201 : f32 to vector<2048x1xf32>
    %logistic3A_203 = arith.addf %logistic3A_202, %logistic3A_200 : vector<2048x1xf32>
    %logistic3A_204 = arith.divf %logistic3A_202, %logistic3A_203 : vector<2048x1xf32>
    %transpose3A = tpu.transpose %logistic3A_168, [1, 0] : vector<2048x1xf32> -> vector<1x2048xf32>
    %transpose3A_205 = tpu.transpose %logistic3A_151, [1, 0] : vector<2048x2xf32> -> vector<2x2048xf32>
    %transpose3A_206 = tpu.transpose %logistic3A_204, [1, 0] : vector<2048x1xf32> -> vector<1x2048xf32>
    %swap3A = arith.constant 0 : index
    %swap3A_207 = arith.constant 0 : index
    %swap3A_208 = vector.load %arg13[%swap3A, %swap3A_207] : memref<1x2048xf32, #tpu.memory_space<vmem>>, vector<1x2048xf32>
    tpu.vector_store %arg13[%swap3A, %swap3A_207], %transpose3A {strides = array<i32>} : memref<1x2048xf32, #tpu.memory_space<vmem>>, vector<1x2048xf32>,
    %swap3A_209 = arith.constant 0 : index
    %swap3A_210 = arith.constant 0 : index
    %swap3A_211 = vector.load %arg14[%swap3A_209, %swap3A_210] : memref<2x2048xf32, #tpu.memory_space<vmem>>, vector<2x2048xf32>
    tpu.vector_store %arg14[%swap3A_209, %swap3A_210], %transpose3A_205 {strides = array<i32>} : memref<2x2048xf32, #tpu.memory_space<vmem>>, vector<2x2048xf32>,
    %swap3A_212 = arith.constant 0 : index
    %swap3A_213 = arith.constant 0 : index
    %swap3A_214 = vector.load %arg15[%swap3A_212, %swap3A_213] : memref<1x2048xf32, #tpu.memory_space<vmem>>, vector<1x2048xf32>
    tpu.vector_store %arg15[%swap3A_212, %swap3A_213], %transpose3A_206 {strides = array<i32>} : memref<1x2048xf32, #tpu.memory_space<vmem>>, vector<1x2048xf32>,
    %slice3A = vector.extract_strided_slice %transpose3A_205 {offsets = [1, 0], sizes = [1, 2048], strides = [1, 1]} : vector<2x2048xf32> to vector<1x2048xf32>
    %concatenate3A = tpu.concatenate %transpose3A, %slice3A, %transpose3A_206 in 0 : vector<1x2048xf32>, vector<1x2048xf32>, vector<1x2048xf32> -> vector<3x2048xf32>
    %swap3A_215 = arith.constant 0 : index
    %swap3A_216 = arith.constant 0 : index
    %swap3A_217 = vector.load %arg16[%swap3A_215, %swap3A_216] : memref<3x2048xf32, #tpu.memory_space<vmem>>, vector<3x2048xf32>
    tpu.vector_store %arg16[%swap3A_215, %swap3A_216], %concatenate3A {strides = array<i32>} : memref<3x2048xf32, #tpu.memory_space<vmem>>, vector<3x2048xf32>,
    return
  }
  func.func @transform_0(%arg0: i32) -> (i32, i32) {
    %c0_i32 = arith.constant 0 : i32
    %c0_i32_0 = arith.constant 0 : i32
    return %arg0, %c0_i32 : i32, i32
  }
  func.func @transform_1(%arg0: i32) -> (i32, i32) {
    %c0_i32 = arith.constant 0 : i32
    %c0_i32_0 = arith.constant 0 : i32
    return %arg0, %c0_i32 : i32, i32
  }
  func.func @transform_2(%arg0: i32) -> (i32, i32) {
    %c0_i32 = arith.constant 0 : i32
    %c0_i32_0 = arith.constant 0 : i32
    return %arg0, %c0_i32 : i32, i32
  }
  func.func @transform_3(%arg0: i32) -> (i32, i32) {
    %c0_i32 = arith.constant 0 : i32
    %c0_i32_0 = arith.constant 0 : i32
    %c0_i32_1 = arith.constant 0 : i32
    return %c0_i32, %c0_i32_0 : i32, i32
  }
  func.func @transform_4(%arg0: i32) -> (i32, i32) {
    %c0_i32 = arith.constant 0 : i32
    %c0_i32_0 = arith.constant 0 : i32
    %c0_i32_1 = arith.constant 0 : i32
    return %c0_i32, %c0_i32_0 : i32, i32
  }
  func.func @transform_5(%arg0: i32) -> (i32, i32) {
    %c0_i32 = arith.constant 0 : i32
    %c0_i32_0 = arith.constant 0 : i32
    %c0_i32_1 = arith.constant 0 : i32
    return %c0_i32, %c0_i32_0 : i32, i32
  }
  func.func @transform_6(%arg0: i32) -> (i32, i32) {
    %c0_i32 = arith.constant 0 : i32
    %c0_i32_0 = arith.constant 0 : i32
    %c0_i32_1 = arith.constant 0 : i32
    return %c0_i32, %c0_i32_0 : i32, i32
  }
  func.func @transform_7(%arg0: i32) -> (i32, i32) {
    %c0_i32 = arith.constant 0 : i32
    %c0_i32_0 = arith.constant 0 : i32
    %c0_i32_1 = arith.constant 0 : i32
    return %c0_i32, %c0_i32_0 : i32, i32
  }
  func.func @transform_8(%arg0: i32) -> (i32, i32) {
    %c0_i32 = arith.constant 0 : i32
    %c0_i32_0 = arith.constant 0 : i32
    %c0_i32_1 = arith.constant 0 : i32
    return %c0_i32, %c0_i32_0 : i32, i32
  }
  func.func @transform_9(%arg0: i32) -> (i32, i32) {
    %c0_i32 = arith.constant 0 : i32
    %c0_i32_0 = arith.constant 0 : i32
    %c0_i32_1 = arith.constant 0 : i32
    return %c0_i32, %c0_i32_0 : i32, i32
  }
  func.func @transform_10(%arg0: i32) -> (i32, i32) {
    %c0_i32 = arith.constant 0 : i32
    %c0_i32_0 = arith.constant 0 : i32
    %c0_i32_1 = arith.constant 0 : i32
    return %c0_i32, %c0_i32_0 : i32, i32
  }
  func.func @transform_11(%arg0: i32) -> (i32, i32) {
    %c0_i32 = arith.constant 0 : i32
    %c0_i32_0 = arith.constant 0 : i32
    %c0_i32_1 = arith.constant 0 : i32
    return %c0_i32, %c0_i32_0 : i32, i32
  }
  func.func @transform_12(%arg0: i32) -> (i32, i32) {
    %c0_i32 = arith.constant 0 : i32
    %c0_i32_0 = arith.constant 0 : i32
    return %c0_i32, %arg0 : i32, i32
  }
  func.func @transform_13(%arg0: i32) -> (i32, i32) {
    %c0_i32 = arith.constant 0 : i32
    %c0_i32_0 = arith.constant 0 : i32
    return %c0_i32, %arg0 : i32, i32
  }
  func.func @transform_14(%arg0: i32) -> (i32, i32) {
    %c0_i32 = arith.constant 0 : i32
    %c0_i32_0 = arith.constant 0 : i32
    return %c0_i32, %arg0 : i32, i32
  }
  func.func @transform_15(%arg0: i32) -> (i32, i32) {
    %c0_i32 = arith.constant 0 : i32
    %c0_i32_0 = arith.constant 0 : i32
    return %c0_i32, %arg0 : i32, i32
  }
}

</mosaic_0001>

<sc_bundles>
// kernel: kernel.8.cloned.1.call-start
scs
__scs_entry_jumppad:
0x0: {  	(pc) =	sbr.rel $0x88, $3  }
0x1: {  	(tag) =	ssettag $0x0;
	lr =	simm.s32 $0x1  }
0x2: {  	[smem:$0x3F95] =	sst lr;
	_ =	strace $0xD0000000  }
0x3: {  	_ = 	snop  }
0x4: {  	_ = 	snop  }
0x5: {  	_ = 	snop  }
0x6: {  	_ = 	snop  }
0x7: {  	_ = 	snop  }
__scs_overlays_trampoline_lowered:
0x8: {  	[smem:$0x3FA4] =	sst s0  }
0x9: {  	[smem:$0x3FA5] =	sst s1  }
0xa: {  	[smem:$0x3FA6] =	sst s2  }
0xb: {  	[smem:$0x3FA7] =	sst s3  }
0xc: {  	[smem:$0x3FA8] =	sst s4  }
0xd: {  	[smem:$0x3FA9] =	sst s5  }
0xe: {  	[smem:$0x3FAA] =	sst s6  }
0xf: {  	[smem:$0x3FAB] =	sst s7  }
0x10: {  	[smem:$0x3FAC] =	sst s8  }
0x11: {  	[smem:$0x3FAD] =	sst s9;
	s0 =	simm.s32 @!p0 $0x0  }
0x12: {  	s1 =	sld [smem:$0x3F93];
	s0 =	simm.s32 @p0 $0x1  }
0x13: {  	[smem:$0x3FAE] =	sst s0;
	s0 =	simm.s32 @!p1 $0x0  }
0x14: {  	s2 =	sld [smem:$0x3F92];
	s0 =	simm.s32 @p1 $0x1  }
0x15: {  	[smem:$0x3FAF] =	sst s0;
	s0 =	simm.s32 @!p2 $0x0  }
0x16: {  	s3 =	sld [smem:$0x3FDB];
	s0 =	simm.s32 @p2 $0x1  }
0x17: {  	s4 =	simm.s32 $0x1BF5;
	[smem:$0x3FB1] =	sst s0  }
0x18: {  	s0 =	sld [smem:$0x3F94];
	_ =	swait.ge [sflag:s4], $0x0  }
0x19: {  	s7 =	sld [smem:$0x3F95]  }
0x1a: {  	s8 =	sadd.s32 $0xFFFFE003, lr  }
0x1b: {  	s9 =	sadd.s32 $0xFFFFFEF7, lr;
	s5 =	simm.s32 $0xFFFFFFFF;
	p2 =	slt.u32 s8, $0xFFFFF086  }
0x1c: {  	p1 =	slt.u32 s9, $0xF7A;
	s5 =	simm.s32 @!p2 $0x0  }
0x1d: {  	s5 =	simm.s32 @p1 $0x1;
	p0 =	seq.s32 s7, s2  }
0x1e: {  	s7 =	smul.u32 @!p0 $0xF7A, s2;
	p2 =	seq.s32 @!p0 s5, $0x0  }
0x1f: {  	s9 =	smul.u32 $0xF7A, s1;
	s8 =	simm.s32 @!p0 $0x1BF5;
	p2 =	por !p2, p0  }
0x20: {  	[sflag:s8] =	ssyncset.s32 @!p0 $0xFFFFF086;
	s6 =	sadd.s32 @!p0 s3, s7;
	s7 =	simm.s32 @!p0 $0x108  }
0x21: {  	s3 =	sadd.s32 s3, s9;
	s6 =	sadd.s32 @!p0 $0x88, s6;
	s7 =	simm.s32 @p2 $0x1082  }
0x22: {  	[simem:s7], [sflag:s8] =	dma.local @!p0 [hbm:s6], $0xF7A  }
0x23: {  	s9 =	sor.u32 $0xD0000000, s2;
	s6 =	simm.s32 $0x108;
	_ =	swait.ge @!p0 [sflag:s8], $0x0  }
0x24: {  	s3 =	sadd.s32 $0x88, s3;
	s6 =	simm.s32 @!p1 $0x1082;
	[sflag:s4] =	ssyncset.s32 $0xFFFFF086  }
0x25: {  	[simem:s6], [sflag:s4] =	dma.local [hbm:s3], $0xF7A  }
0x26: {  	[smem:$0x3F95] =	sst s1;
	(tag) =	ssettag s2;
	_ =	strace s9  }
0x27: {  	s1 =	sld [smem:$0x3FA5]  }
0x28: {  	s2 =	sld [smem:$0x3FA6]  }
0x29: {  	s4 =	sld [smem:$0x3FA8]  }
0x2a: {  	p0 =	seq.s32 s5, $0x0;
	s5 =	sld [smem:$0x3FA9]  }
0x2b: {  	s6 =	sld [smem:$0x3FAA]  }
0x2c: {  	s7 =	sld [smem:$0x3FAB]  }
0x2d: {  	s3 =	simm.s32 $0x108;
	s8 =	sld [smem:$0x3FAC]  }
0x2e: {  	s3 =	simm.s32 @!p0 $0x1082;
	s9 =	sld [smem:$0x3FAD]  }
0x2f: {  	lr =	sadd.s32 s0, s3;
	s0 =	sld [smem:$0x3FA4]  }
0x30: {  	s3 =	sld [smem:$0x3FA7]  }
0x31: {  	[smem:$0x3FB0] =	sst s10  }
0x32: {  	s10 =	sld [smem:$0x3FAE];
	_ =	sdelay $0x3  }
0x33: {  	p0 =	seq.s32 s10, $0x1;
	s10 =	sld [smem:$0x3FB0];
	_ =	sdelay $0x3  }
0x34: {  	[smem:$0x3FB0] =	sst s10  }
0x35: {  	s10 =	sld [smem:$0x3FAF];
	_ =	sdelay $0x3  }
0x36: {  	p1 =	seq.s32 s10, $0x1;
	s10 =	sld [smem:$0x3FB0];
	_ =	sdelay $0x3  }
0x37: {  	[smem:$0x3FB0] =	sst s10  }
0x38: {  	s10 =	sld [smem:$0x3FB1]  }
0x39: {  	_ = 	snop;
	(pc) =	sbr.ind lr, $3  }
0x3a: {  	_ = 	snop  }
0x3b: {  	_ = 	snop  }
0x3c: {  	p2 =	seq.s32 s10, $0x1;
	s10 =	sld [smem:$0x3FB0]  }
0x3d: {  	_ =	shalt  }
0x3e: {  	_ =	shalt  }
0x3f: {  	_ =	shalt  }
0x40: {  	_ =	shalt  }
0x41: {  	_ =	shalt  }
0x42: {  	_ =	shalt  }
0x43: {  	_ =	shalt  }
0x44: {  	_ =	shalt  }
0x45: {  	_ =	shalt  }
0x46: {  	_ =	shalt  }
0x47: {  	_ =	shalt  }
0x48: {  	_ =	shalt  }
0x49: {  	_ =	shalt  }
0x4a: {  	_ =	shalt  }
0x4b: {  	_ =	shalt  }
0x4c: {  	_ =	shalt  }
0x4d: {  	_ =	shalt  }
0x4e: {  	_ =	shalt  }
0x4f: {  	_ =	shalt  }
0x50: {  	_ =	shalt  }
0x51: {  	_ =	shalt  }
0x52: {  	_ =	shalt  }
0x53: {  	_ =	shalt  }
0x54: {  	_ =	shalt  }
0x55: {  	_ =	shalt  }
0x56: {  	_ =	shalt  }
0x57: {  	_ =	shalt  }
0x58: {  	_ =	shalt  }
0x59: {  	_ =	shalt  }
0x5a: {  	_ =	shalt  }
0x5b: {  	_ =	shalt  }
0x5c: {  	_ =	shalt  }
0x5d: {  	_ =	shalt  }
0x5e: {  	_ =	shalt  }
0x5f: {  	_ =	shalt  }
0x60: {  	_ =	shalt  }
0x61: {  	_ =	shalt  }
0x62: {  	_ =	shalt  }
0x63: {  	_ =	shalt  }
0x64: {  	_ =	shalt  }
0x65: {  	_ =	shalt  }
0x66: {  	_ =	shalt  }
0x67: {  	_ =	shalt  }
0x68: {  	_ =	shalt  }
0x69: {  	_ =	shalt  }
0x6a: {  	_ =	shalt  }
0x6b: {  	_ =	shalt  }
0x6c: {  	_ =	shalt  }
0x6d: {  	_ =	shalt  }
0x6e: {  	_ =	shalt  }
0x6f: {  	_ =	shalt  }
0x70: {  	_ =	shalt  }
0x71: {  	_ =	shalt  }
0x72: {  	_ =	shalt  }
0x73: {  	_ =	shalt  }
0x74: {  	_ =	shalt  }
0x75: {  	_ =	shalt  }
0x76: {  	_ =	shalt  }
0x77: {  	_ =	shalt  }
0x78: {  	_ =	shalt  }
0x79: {  	_ =	shalt  }
0x7a: {  	_ =	shalt  }
0x7b: {  	_ =	shalt  }
0x7c: {  	_ =	shalt  }
0x7d: {  	_ =	shalt  }
0x7e: {  	_ =	shalt  }
0x7f: {  	_ =	shalt  }
0x80: {  	_ =	shalt  }
0x81: {  	_ =	shalt  }
0x82: {  	_ =	shalt  }
0x83: {  	_ =	shalt  }
0x84: {  	_ =	shalt  }
0x85: {  	_ =	shalt  }
0x86: {  	_ =	shalt  }
0x87: {  	_ =	shalt  }
.Lfunc_end0:
.L_simem_size_0:
called_computation_lowered:
.L_overlay_start_0:
0x88: {  	s2 =	sld [smem:$0x3FD9]  }
0x89: {  	s3 =	sld [smem:$0x3FFE];
	_ =	sdelay $0x1  }
0x8a: {  	s1 =	srdreg.scid  }
0x8b: {  	s0 =	sand.u32 $0x1, s1  }
0x8c: {  	s14 =	sshll.u32 s0, $0xA;
	s2 =	sadd.s32 s3, s2  }
0x8d: {  	s2 =	sadd.s32 s2, s14  }
0x8e: {  	[smem:$0x3FBC] =	sst s2  }
0x8f: {  	_ = 	snop  }
0x90: {  	s2 =	sld [smem:$0x3FD0];
	_ =	sdelay $0x2  }
0x91: {  	s15 =	simm.s32 $0xA;
	s4 =	simm.s32 $0x10  }
0x92: {  	[smem:s4], [sflag:s15] =	dma.local [hbm:s2], $0x1  }
0x93: {  	_ =	swait.eq [sflag:s15], $0x1  }
0x94: {  	[sflag:s15] =	ssyncset.done $0x0  }
0x95: {  	s16 =	sld [smem:$0x10];
	[sflag:s15] =	ssyncadd.s32 $0xFFFFFFFF  }
0x96: {  	s17 =	sld [smem:$0x12];
	(tm) =	ssettm $0x1  }
0x97: {  	s18 =	sld [smem:$0x3FFB];
	_ =	sdelay $0x3  }
0x98: {  	_ =	strace s18  }
0x99: {  	s4 =	sld [smem:$0x3FFC];
	_ =	sdelay $0x3  }
0x9a: {  	_ =	strace s4  }
0x9b: {  	s4 =	sld [smem:$0x3FFD];
	_ =	sdelay $0x3  }
0x9c: {  	_ =	strace s4  }
0x9d: {  	_ =	strace $0x8FFFFFFF  }
0x9e: {  	s19 =	sld [smem:$0x3FDB];
	_ =	sdelay $0x1  }
0x9f: {  	s5 =	simm.s32 $_scs_section_size  }
0xa0: {  	s6 =	simm.s32 $_size__tile_overlayer_lowered;
	s7 =	simm.s32 $_tile_overlayer_lowered  }
0xa1: {  	s22 =	simm.s32 $0x1BFF;
	s21 =	sshll.u32 s7, $0x1;
	s4 =	sadd.s32 s5, s19  }
0xa2: {  	s8 =	simm.s32 $0x0;
	s20 =	sshll.u32 s6, $0x1;
	s6 =	sadd.s32 s21, s4  }
0xa3: {  	[timem:s8], [sflag:s22] =	dma.local [hbm:s6], s20  }
0xa4: {  	_ =	swait.ge [sflag:s22], s20  }
0xa5: {  	s5 =	ssub.s32 $0x0, s20;
	[sflag:s22] =	ssyncset.done $0x0  }
0xa6: {  	[sflag:s22] =	ssyncadd.s32 s5;
	_ =	sdelay $0x1  }
0xa7: {  	s23 =	simm.s32 $0x1B8B  }
0xa8: {  	_ =	swait.ge [sflag:s23], $0x1  }
0xa9: {  	[sflag:s23] =	ssyncset.done $0x0  }
0xaa: {  	s25 =	simm.s32 $0x1B8E;
	s24 =	sld [smem:$0x3FFE];
	[sflag:s23] =	ssyncadd.s32 $0xFFFFFFFF  }
0xab: {  	s26 =	simm.s32 $execute0_lowered;
	[smem:$0x3FD2] =	sst s25  }
0xac: {  	s6 =	sshll.u32 s26, $0x1;
	_ =	strace $0x80000046;
	[dreg:$0x1] =	wrdreg $0xFFFFFFFF  }
0xad: {  	s28 =	simm.s32 $_size_execute0_lowered;
	s4 =	sadd.s32 s4, s6;
	[dreg:$0x0] =	wrdreg $0x0  }
0xae: {  	s6 =	sshll.u32 s28, $0x1;
	[dreg:$0x2] =	wrdreg s4  }
0xaf: {  	[dreg:$0x3] =	wrdreg s6  }
0xb0: {  	[dreg:$0x4] =	wrdreg $0xC0  }
0xb1: {  	_ =	task [dreg:s8], $0x5FFFF  }
0xb2: {  	[dreg:$0x1] =	wrdreg $0xFFFFFFFF  }
0xb3: {  	[dreg:$0x0] =	wrdreg $0x60  }
0xb4: {  	[dreg:$0x2] =	wrdreg s24  }
0xb5: {  	[dreg:$0x3] =	wrdreg s16  }
0xb6: {  	[dreg:$0x4] =	wrdreg s17  }
0xb7: {  	[dreg:$0x5] =	wrdreg $0x9  }
0xb8: {  	_ =	task.clear_ibuf [dreg:s8], $0x6FFFF;
	_ =	strace $0x90000046  }
0xb9: {  	s29 =	simm.s32 $0x9;
	_ =	strace $0x80000048  }
0xba: {  	_ =	swait.ge [sflag:s29], $0x1  }
0xbb: {  	[sflag:s29] =	ssyncadd.s32 $0xFFFFFFFF  }
0xbc: {  	_ =	strace $0x90000048  }
0xbd: {  	_ =	sfence  }
0xbe: {  	s30 =	sld [smem:$0x0];
	_ =	sdelay $0x2  }
0xbf: {  	s31 =	sshll.u32 s1, $0xD;
	s1 =	sshrl.u32 s1, $0x2  }
0xc0: {  	s3 =	sand.u32 $0x4000, s31;
	s1 =	sadd.s32 s1, s30  }
0xc1: {  	s0 =	sor.u32 s3, s0;
	s1 =	sshll.u32 s1, $0x11  }
0xc2: {  	s0 =	sor.u32 s1, s0  }
0xc3: {  	s0 =	sadd.s32 $0x8F2B, s0  }
0xc4: {  	[sflag:s0] =	ssyncadd.remote.s32 $0x1  }
0xc5: {  	_ =	sfence.sel $0xFFFF  }
0xc6: {  	[dreg:$0x0] =	wrdreg $0xFFFFFFFF;
	(pc) =	sbr.abs _section_cstart, $3  }
0xc7: {  	[dreg:$0x1] =	wrdreg $0xFFFFFFFF  }
0xc8: {  	_ =	task.clear_ibuf [dreg:s8], $0x2FFFF;
	_ =	strace $0x9FFFFFFF  }
0xc9: {  	(tm) =	ssettm $0x7FFFFFFF  }
tec
execute0_lowered:
.L_overlay_start_1:
0x0: {  	(tag) =	ssettag $0x1  }
0x1: {  	s14 =	rddreg [dreg:$0x0];
	s1 =	srdreg.scid  }
0x2: {  	s23 =	rddreg [dreg:$0x1];
	s0 =	stileid.u32;
	s26 =	sand.u32 $0x1, s1  }
0x3: {  	s24 =	rddreg [dreg:$0x2];
	s3 =	sshll.u32 s0, $0xA;
	s4 =	sshll.u32 s26, $0x9  }
0x4: {  	s2 =	simm.s32 $0x0;
	s1 =	rddreg [dreg:$0x3];
	s25 =	sor.u32 s4, s3  }
0x5: {  	[smem:$0x7FF] =	sst s2;
	s8 =	sshrl.u32 s25, $0x3  }
0x6: {  	_ =	strace $0x80000047;
	s3 =	simm.s32 $0x3;
	s4 =	sadd.s32 s23, s8  }
0x7: {  	[tilespmem:s2], [sflag:$0x3] =	stream.linear.gather [hbm4b:s4+s2], $0x80, $0x38;
	[tilespmem:$0x8100] =	vst v63  }
0x8: {  	_ =	swait.ge [sflag:s3], $0x80  }
0x9: {  	s6 =	simm.s32 $0x80;
	[sflag:s3] =	ssyncset.done $0x0  }
0xa: {  	s7 =	simm.s32 $0x100;
	s5 =	sadd.s32 $0x2400, s14;
	[sflag:s3] =	ssyncadd.s32 $0xFFFFFF80  }
0xb: {  	[tilespmem:s7], [sflag:$0x1] =	stream.indirect.gather [hbm4b:s5+s6], $0x80, s2, s6, $0xb8;
	[tilespmem:$0x8100] =	vst v63  }
0xc: {  	s8 =	sadd.s32 s24, s8  }
0xd: {  	[tilespmem:s6], [sflag:$0x3] =	stream.linear.gather [hbm4b:s8+s2], $0x80, $0x38;
	[tilespmem:$0x8100] =	vst v63  }
0xe: {  	_ =	swait.ge [sflag:s3], $0x80  }
0xf: {  	s10 =	simm.s32 $0x4100;
	[sflag:s3] =	ssyncset.done $0x0  }
0x10: {  	s11 =	simm.s32 $0x1;
	s9 =	sadd.s32 $0x3D3800, s14;
	[sflag:s3] =	ssyncadd.s32 $0xFFFFFF80  }
0x11: {  	[tilespmem:s10], [sflag:$0x2] =	stream.indirect.gather [hbm4b:s9+s6], $0x80, s6, s6, $0xb8;
	[tilespmem:$0x8100] =	vst v63  }
0x12: {  	_ =	swait.ge [sflag:s11], $0x4000  }
0x13: {  	s28 =	sadd.s32 $0x437000, s14;
	s15 =	sshll.u32 s25, $0x4;
	[sflag:s11] =	ssyncset.done $0x0  }
0x14: {  	s12 =	sadd.s32 s28, s15;
	[sflag:s11] =	ssyncadd.s32 $0xFFFFC000  }
0x15: {  	[hbm4b:s12+s2] =	stream.linear.scatter [tilespmem:s7], [sflag:$0x3], $0x4000, $0x38;
	[tilespmem:$0x8100] =	vst v63  }
0x16: {  	_ =	swait.ge [sflag:s3], $0x4000  }
0x17: {  	[sflag:s3] =	ssyncset.done $0x0  }
0x18: {  	s13 =	simm.s32 $0x2;
	[sflag:s3] =	ssyncadd.s32 $0xFFFFC000  }
0x19: {  	_ =	swait.ge [sflag:s13], $0x4000  }
0x1a: {  	s29 =	sadd.s32 $0x477000, s14;
	[sflag:s13] =	ssyncset.done $0x0  }
0x1b: {  	s14 =	sadd.s32 s29, s15;
	[sflag:s13] =	ssyncadd.s32 $0xFFFFC000  }
0x1c: {  	[hbm4b:s14+s2] =	stream.linear.scatter [tilespmem:s10], [sflag:$0x3], $0x4000, $0x38;
	[tilespmem:$0x8100] =	vst v63  }
0x1d: {  	s17 =	sor.u32 $0x80, s25;
	_ =	swait.ge [sflag:s3], $0x4000  }
0x1e: {  	s16 =	sshrl.u32 s17, $0x3;
	[sflag:s3] =	ssyncset.done $0x0  }
0x1f: {  	s15 =	sadd.s32 s23, s16;
	[sflag:s3] =	ssyncadd.s32 $0xFFFFC000  }
0x20: {  	[tilespmem:s2], [sflag:$0x3] =	stream.linear.gather [hbm4b:s15+s2], $0x80, $0x38;
	[tilespmem:$0x8100] =	vst v63  }
0x21: {  	_ =	swait.ge [sflag:s3], $0x80  }
0x22: {  	[sflag:s3] =	ssyncset.done $0x0  }
0x23: {  	[sflag:s3] =	ssyncadd.s32 $0xFFFFFF80  }
0x24: {  	[tilespmem:s7], [sflag:$0x1] =	stream.indirect.gather [hbm4b:s5+s6], $0x80, s2, s6, $0xb8;
	[tilespmem:$0x8100] =	vst v63  }
0x25: {  	s16 =	sadd.s32 s24, s16  }
0x26: {  	[tilespmem:s6], [sflag:$0x3] =	stream.linear.gather [hbm4b:s16+s2], $0x80, $0x38;
	[tilespmem:$0x8100] =	vst v63  }
0x27: {  	_ =	swait.ge [sflag:s3], $0x80  }
0x28: {  	[sflag:s3] =	ssyncset.done $0x0  }
0x29: {  	[sflag:s3] =	ssyncadd.s32 $0xFFFFFF80  }
0x2a: {  	[tilespmem:s10], [sflag:$0x2] =	stream.indirect.gather [hbm4b:s9+s6], $0x80, s6, s6, $0xb8;
	[tilespmem:$0x8100] =	vst v63  }
0x2b: {  	_ =	swait.ge [sflag:s11], $0x4000  }
0x2c: {  	s18 =	sshll.u32 s17, $0x4;
	[sflag:s11] =	ssyncset.done $0x0  }
0x2d: {  	s17 =	sadd.s32 s28, s18;
	[sflag:s11] =	ssyncadd.s32 $0xFFFFC000  }
0x2e: {  	[hbm4b:s17+s2] =	stream.linear.scatter [tilespmem:s7], [sflag:$0x3], $0x4000, $0x38;
	[tilespmem:$0x8100] =	vst v63  }
0x2f: {  	_ =	swait.ge [sflag:s3], $0x4000  }
0x30: {  	[sflag:s3] =	ssyncset.done $0x0  }
0x31: {  	[sflag:s3] =	ssyncadd.s32 $0xFFFFC000  }
0x32: {  	_ =	swait.ge [sflag:s13], $0x4000  }
0x33: {  	[sflag:s13] =	ssyncset.done $0x0  }
0x34: {  	s18 =	sadd.s32 s29, s18;
	[sflag:s13] =	ssyncadd.s32 $0xFFFFC000  }
0x35: {  	[hbm4b:s18+s2] =	stream.linear.scatter [tilespmem:s10], [sflag:$0x3], $0x4000, $0x38;
	[tilespmem:$0x8100] =	vst v63  }
0x36: {  	s21 =	sor.u32 $0x100, s25;
	_ =	swait.ge [sflag:s3], $0x4000  }
0x37: {  	s20 =	sshrl.u32 s21, $0x3;
	[sflag:s3] =	ssyncset.done $0x0  }
0x38: {  	s19 =	sadd.s32 s23, s20;
	[sflag:s3] =	ssyncadd.s32 $0xFFFFC000  }
0x39: {  	[tilespmem:s2], [sflag:$0x3] =	stream.linear.gather [hbm4b:s19+s2], $0x80, $0x38;
	[tilespmem:$0x8100] =	vst v63  }
0x3a: {  	_ =	swait.ge [sflag:s3], $0x80  }
0x3b: {  	[sflag:s3] =	ssyncset.done $0x0  }
0x3c: {  	[sflag:s3] =	ssyncadd.s32 $0xFFFFFF80  }
0x3d: {  	[tilespmem:s7], [sflag:$0x1] =	stream.indirect.gather [hbm4b:s5+s6], $0x80, s2, s6, $0xb8;
	[tilespmem:$0x8100] =	vst v63  }
0x3e: {  	s20 =	sadd.s32 s24, s20  }
0x3f: {  	[tilespmem:s6], [sflag:$0x3] =	stream.linear.gather [hbm4b:s20+s2], $0x80, $0x38;
	[tilespmem:$0x8100] =	vst v63  }
0x40: {  	_ =	swait.ge [sflag:s3], $0x80  }
0x41: {  	[sflag:s3] =	ssyncset.done $0x0  }
0x42: {  	[sflag:s3] =	ssyncadd.s32 $0xFFFFFF80  }
0x43: {  	[tilespmem:s10], [sflag:$0x2] =	stream.indirect.gather [hbm4b:s9+s6], $0x80, s6, s6, $0xb8;
	[tilespmem:$0x8100] =	vst v63  }
0x44: {  	_ =	swait.ge [sflag:s11], $0x4000  }
0x45: {  	s22 =	sshll.u32 s21, $0x4;
	[sflag:s11] =	ssyncset.done $0x0  }
0x46: {  	s21 =	sadd.s32 s28, s22;
	[sflag:s11] =	ssyncadd.s32 $0xFFFFC000  }
0x47: {  	[hbm4b:s21+s2] =	stream.linear.scatter [tilespmem:s7], [sflag:$0x3], $0x4000, $0x38;
	[tilespmem:$0x8100] =	vst v63  }
0x48: {  	_ =	swait.ge [sflag:s3], $0x4000  }
0x49: {  	[sflag:s3] =	ssyncset.done $0x0  }
0x4a: {  	[sflag:s3] =	ssyncadd.s32 $0xFFFFC000  }
0x4b: {  	_ =	swait.ge [sflag:s13], $0x4000  }
0x4c: {  	[sflag:s13] =	ssyncset.done $0x0  }
0x4d: {  	s22 =	sadd.s32 s29, s22;
	[sflag:s13] =	ssyncadd.s32 $0xFFFFC000  }
0x4e: {  	[hbm4b:s22+s2] =	stream.linear.scatter [tilespmem:s10], [sflag:$0x3], $0x4000, $0x38;
	[tilespmem:$0x8100] =	vst v63  }
0x4f: {  	s25 =	sor.u32 $0x180, s25;
	_ =	swait.ge [sflag:s3], $0x4000  }
0x50: {  	s30 =	sshrl.u32 s25, $0x3;
	[sflag:s3] =	ssyncset.done $0x0  }
0x51: {  	s23 =	sadd.s32 s23, s30;
	[sflag:s3] =	ssyncadd.s32 $0xFFFFC000  }
0x52: {  	[tilespmem:s2], [sflag:$0x3] =	stream.linear.gather [hbm4b:s23+s2], $0x80, $0x38;
	[tilespmem:$0x8100] =	vst v63  }
0x53: {  	_ =	swait.ge [sflag:s3], $0x80  }
0x54: {  	[sflag:s3] =	ssyncset.done $0x0  }
0x55: {  	[sflag:s3] =	ssyncadd.s32 $0xFFFFFF80  }
0x56: {  	[tilespmem:s7], [sflag:$0x1] =	stream.indirect.gather [hbm4b:s5+s6], $0x80, s2, s6, $0xb8;
	[tilespmem:$0x8100] =	vst v63  }
0x57: {  	s24 =	sadd.s32 s24, s30  }
0x58: {  	[tilespmem:s6], [sflag:$0x3] =	stream.linear.gather [hbm4b:s24+s2], $0x80, $0x38;
	[tilespmem:$0x8100] =	vst v63  }
0x59: {  	_ =	swait.ge [sflag:s3], $0x80  }
0x5a: {  	[sflag:s3] =	ssyncset.done $0x0  }
0x5b: {  	[sflag:s3] =	ssyncadd.s32 $0xFFFFFF80  }
0x5c: {  	[tilespmem:s10], [sflag:$0x2] =	stream.indirect.gather [hbm4b:s9+s6], $0x80, s6, s6, $0xb8;
	[tilespmem:$0x8100] =	vst v63  }
0x5d: {  	_ =	swait.ge [sflag:s11], $0x4000  }
0x5e: {  	s31 =	sshll.u32 s25, $0x4;
	[sflag:s11] =	ssyncset.done $0x0  }
0x5f: {  	s26 =	ssub.s32 $0x2, s26;
	s25 =	sadd.s32 s28, s31;
	[sflag:s11] =	ssyncadd.s32 $0xFFFFC000  }
0x60: {  	[hbm4b:s25+s2] =	stream.linear.scatter [tilespmem:s7], [sflag:$0x3], $0x4000, $0x38;
	[tilespmem:$0x8100] =	vst v63  }
0x61: {  	s28 =	sshrl.u32 s26, $0x1;
	_ =	swait.ge [sflag:s3], $0x4000  }
0x62: {  	s28 =	ssub.s32 s26, s28;
	[sflag:s3] =	ssyncset.done $0x0  }
0x63: {  	s28 =	smax.u32 s28, $0x1;
	[sflag:s3] =	ssyncadd.s32 $0xFFFFC000  }
0x64: {  	p0 =	sne.s32 s28, $0x1;
	_ =	swait.ge [sflag:s13], $0x4000  }
.Ltmp0:
0x65: {  	[sflag:s13] =	ssyncset.done $0x0;
	(pc) =	sbr.rel @!p0 .LBB2_2-.Ltmp0, $4  }
0x66: {  	s26 =	sadd.s32 s29, s31;
	[sflag:s13] =	ssyncadd.s32 $0xFFFFC000  }
0x67: {  	[hbm4b:s26+s2] =	stream.linear.scatter [tilespmem:s10], [sflag:$0x3], $0x4000, $0x38;
	[tilespmem:$0x8100] =	vst v63  }
0x68: {  	_ =	swait.ge [sflag:s3], $0x4000  }
0x69: {  	s28 =	sadd.s32 $0xFFFFFFFF, s28;
	[sflag:s3] =	ssyncset.done $0x0  }
.LBB2_1:
0x6a: {  	p0 =	sne.s32 s28, $0x1;
	s28 =	sadd.s32 $0xFFFFFFFF, s28;
	[sflag:s3] =	ssyncadd.s32 $0xFFFFC000  }
0x6b: {  	[tilespmem:s2], [sflag:$0x3] =	stream.linear.gather [hbm4b:s4+s2], $0x80, $0x38;
	[tilespmem:$0x8100] =	vst v63  }
0x6c: {  	_ =	swait.ge [sflag:s3], $0x80  }
0x6d: {  	[sflag:s3] =	ssyncset.done $0x0  }
0x6e: {  	[sflag:s3] =	ssyncadd.s32 $0xFFFFFF80  }
0x6f: {  	[tilespmem:s7], [sflag:$0x1] =	stream.indirect.gather [hbm4b:s5+s6], $0x80, s2, s6, $0xb8;
	[tilespmem:$0x8100] =	vst v63  }
0x70: {  	_ = 	snop  }
0x71: {  	[tilespmem:s6], [sflag:$0x3] =	stream.linear.gather [hbm4b:s8+s2], $0x80, $0x38;
	[tilespmem:$0x8100] =	vst v63  }
0x72: {  	_ =	swait.ge [sflag:s3], $0x80  }
0x73: {  	[sflag:s3] =	ssyncset.done $0x0  }
0x74: {  	[sflag:s3] =	ssyncadd.s32 $0xFFFFFF80  }
0x75: {  	[tilespmem:s10], [sflag:$0x2] =	stream.indirect.gather [hbm4b:s9+s6], $0x80, s6, s6, $0xb8;
	[tilespmem:$0x8100] =	vst v63  }
0x76: {  	_ =	swait.ge [sflag:s11], $0x4000  }
0x77: {  	[sflag:s11] =	ssyncset.done $0x0  }
0x78: {  	[sflag:s11] =	ssyncadd.s32 $0xFFFFC000  }
0x79: {  	[hbm4b:s12+s2] =	stream.linear.scatter [tilespmem:s7], [sflag:$0x3], $0x4000, $0x38;
	[tilespmem:$0x8100] =	vst v63  }
0x7a: {  	_ =	swait.ge [sflag:s3], $0x4000  }
0x7b: {  	[sflag:s3] =	ssyncset.done $0x0  }
0x7c: {  	[sflag:s3] =	ssyncadd.s32 $0xFFFFC000  }
0x7d: {  	_ =	swait.ge [sflag:s13], $0x4000  }
0x7e: {  	[sflag:s13] =	ssyncset.done $0x0  }
0x7f: {  	[sflag:s13] =	ssyncadd.s32 $0xFFFFC000  }
0x80: {  	[hbm4b:s14+s2] =	stream.linear.scatter [tilespmem:s10], [sflag:$0x3], $0x4000, $0x38;
	[tilespmem:$0x8100] =	vst v63  }
0x81: {  	_ =	swait.ge [sflag:s3], $0x4000  }
0x82: {  	[sflag:s3] =	ssyncset.done $0x0  }
0x83: {  	[sflag:s3] =	ssyncadd.s32 $0xFFFFC000  }
0x84: {  	[tilespmem:s2], [sflag:$0x3] =	stream.linear.gather [hbm4b:s15+s2], $0x80, $0x38;
	[tilespmem:$0x8100] =	vst v63  }
0x85: {  	_ =	swait.ge [sflag:s3], $0x80  }
0x86: {  	[sflag:s3] =	ssyncset.done $0x0  }
0x87: {  	[sflag:s3] =	ssyncadd.s32 $0xFFFFFF80  }
0x88: {  	[tilespmem:s7], [sflag:$0x1] =	stream.indirect.gather [hbm4b:s5+s6], $0x80, s2, s6, $0xb8;
	[tilespmem:$0x8100] =	vst v63  }
0x89: {  	_ = 	snop  }
0x8a: {  	[tilespmem:s6], [sflag:$0x3] =	stream.linear.gather [hbm4b:s16+s2], $0x80, $0x38;
	[tilespmem:$0x8100] =	vst v63  }
0x8b: {  	_ =	swait.ge [sflag:s3], $0x80  }
0x8c: {  	[sflag:s3] =	ssyncset.done $0x0  }
0x8d: {  	[sflag:s3] =	ssyncadd.s32 $0xFFFFFF80  }
0x8e: {  	[tilespmem:s10], [sflag:$0x2] =	stream.indirect.gather [hbm4b:s9+s6], $0x80, s6, s6, $0xb8;
	[tilespmem:$0x8100] =	vst v63  }
0x8f: {  	_ =	swait.ge [sflag:s11], $0x4000  }
0x90: {  	[sflag:s11] =	ssyncset.done $0x0  }
0x91: {  	[sflag:s11] =	ssyncadd.s32 $0xFFFFC000  }
0x92: {  	[hbm4b:s17+s2] =	stream.linear.scatter [tilespmem:s7], [sflag:$0x3], $0x4000, $0x38;
	[tilespmem:$0x8100] =	vst v63  }
0x93: {  	_ =	swait.ge [sflag:s3], $0x4000  }
0x94: {  	[sflag:s3] =	ssyncset.done $0x0  }
0x95: {  	[sflag:s3] =	ssyncadd.s32 $0xFFFFC000  }
0x96: {  	_ =	swait.ge [sflag:s13], $0x4000  }
0x97: {  	[sflag:s13] =	ssyncset.done $0x0  }
0x98: {  	[sflag:s13] =	ssyncadd.s32 $0xFFFFC000  }
0x99: {  	[hbm4b:s18+s2] =	stream.linear.scatter [tilespmem:s10], [sflag:$0x3], $0x4000, $0x38;
	[tilespmem:$0x8100] =	vst v63  }
0x9a: {  	_ =	swait.ge [sflag:s3], $0x4000  }
0x9b: {  	[sflag:s3] =	ssyncset.done $0x0  }
0x9c: {  	[sflag:s3] =	ssyncadd.s32 $0xFFFFC000  }
0x9d: {  	[tilespmem:s2], [sflag:$0x3] =	stream.linear.gather [hbm4b:s19+s2], $0x80, $0x38;
	[tilespmem:$0x8100] =	vst v63  }
0x9e: {  	_ =	swait.ge [sflag:s3], $0x80  }
0x9f: {  	[sflag:s3] =	ssyncset.done $0x0  }
0xa0: {  	[sflag:s3] =	ssyncadd.s32 $0xFFFFFF80  }
0xa1: {  	[tilespmem:s7], [sflag:$0x1] =	stream.indirect.gather [hbm4b:s5+s6], $0x80, s2, s6, $0xb8;
	[tilespmem:$0x8100] =	vst v63  }
0xa2: {  	_ = 	snop  }
0xa3: {  	[tilespmem:s6], [sflag:$0x3] =	stream.linear.gather [hbm4b:s20+s2], $0x80, $0x38;
	[tilespmem:$0x8100] =	vst v63  }
0xa4: {  	_ =	swait.ge [sflag:s3], $0x80  }
0xa5: {  	[sflag:s3] =	ssyncset.done $0x0  }
0xa6: {  	[sflag:s3] =	ssyncadd.s32 $0xFFFFFF80  }
0xa7: {  	[tilespmem:s10], [sflag:$0x2] =	stream.indirect.gather [hbm4b:s9+s6], $0x80, s6, s6, $0xb8;
	[tilespmem:$0x8100] =	vst v63  }
0xa8: {  	_ =	swait.ge [sflag:s11], $0x4000  }
0xa9: {  	[sflag:s11] =	ssyncset.done $0x0  }
0xaa: {  	[sflag:s11] =	ssyncadd.s32 $0xFFFFC000  }
0xab: {  	[hbm4b:s21+s2] =	stream.linear.scatter [tilespmem:s7], [sflag:$0x3], $0x4000, $0x38;
	[tilespmem:$0x8100] =	vst v63  }
0xac: {  	_ =	swait.ge [sflag:s3], $0x4000  }
0xad: {  	[sflag:s3] =	ssyncset.done $0x0  }
0xae: {  	[sflag:s3] =	ssyncadd.s32 $0xFFFFC000  }
0xaf: {  	_ =	swait.ge [sflag:s13], $0x4000  }
0xb0: {  	[sflag:s13] =	ssyncset.done $0x0  }
0xb1: {  	[sflag:s13] =	ssyncadd.s32 $0xFFFFC000  }
0xb2: {  	[hbm4b:s22+s2] =	stream.linear.scatter [tilespmem:s10], [sflag:$0x3], $0x4000, $0x38;
	[tilespmem:$0x8100] =	vst v63  }
0xb3: {  	_ =	swait.ge [sflag:s3], $0x4000  }
0xb4: {  	[sflag:s3] =	ssyncset.done $0x0  }
0xb5: {  	[sflag:s3] =	ssyncadd.s32 $0xFFFFC000  }
0xb6: {  	[tilespmem:s2], [sflag:$0x3] =	stream.linear.gather [hbm4b:s23+s2], $0x80, $0x38;
	[tilespmem:$0x8100] =	vst v63  }
0xb7: {  	_ =	swait.ge [sflag:s3], $0x80  }
0xb8: {  	[sflag:s3] =	ssyncset.done $0x0  }
0xb9: {  	[sflag:s3] =	ssyncadd.s32 $0xFFFFFF80  }
0xba: {  	[tilespmem:s7], [sflag:$0x1] =	stream.indirect.gather [hbm4b:s5+s6], $0x80, s2, s6, $0xb8;
	[tilespmem:$0x8100] =	vst v63  }
0xbb: {  	_ = 	snop  }
0xbc: {  	[tilespmem:s6], [sflag:$0x3] =	stream.linear.gather [hbm4b:s24+s2], $0x80, $0x38;
	[tilespmem:$0x8100] =	vst v63  }
0xbd: {  	_ =	swait.ge [sflag:s3], $0x80  }
0xbe: {  	[sflag:s3] =	ssyncset.done $0x0  }
0xbf: {  	[sflag:s3] =	ssyncadd.s32 $0xFFFFFF80  }
0xc0: {  	[tilespmem:s10], [sflag:$0x2] =	stream.indirect.gather [hbm4b:s9+s6], $0x80, s6, s6, $0xb8;
	[tilespmem:$0x8100] =	vst v63  }
0xc1: {  	_ =	swait.ge [sflag:s11], $0x4000  }
0xc2: {  	[sflag:s11] =	ssyncset.done $0x0  }
0xc3: {  	[sflag:s11] =	ssyncadd.s32 $0xFFFFC000  }
0xc4: {  	[hbm4b:s25+s2] =	stream.linear.scatter [tilespmem:s7], [sflag:$0x3], $0x4000, $0x38;
	[tilespmem:$0x8100] =	vst v63  }
0xc5: {  	_ =	swait.ge [sflag:s3], $0x4000  }
0xc6: {  	[sflag:s3] =	ssyncset.done $0x0  }
0xc7: {  	[sflag:s3] =	ssyncadd.s32 $0xFFFFC000  }
0xc8: {  	_ =	swait.ge [sflag:s13], $0x4000  }
.Ltmp1:
0xc9: {  	[sflag:s13] =	ssyncset.done $0x0;
	(pc) =	sbr.rel @p0 .LBB2_1-.Ltmp1, $4  }
0xca: {  	[sflag:s13] =	ssyncadd.s32 $0xFFFFC000  }
0xcb: {  	[hbm4b:s26+s2] =	stream.linear.scatter [tilespmem:s10], [sflag:$0x3], $0x4000, $0x38;
	[tilespmem:$0x8100] =	vst v63  }
0xcc: {  	_ =	swait.ge [sflag:s3], $0x4000  }
0xcd: {  	[sflag:s3] =	ssyncset.done $0x0  }
.LBB2_2:
0xce: {  	[sflag:s3] =	ssyncadd.s32 $0xFFFFC000  }
0xcf: {  	_ =	sfence.sel $0x180000  }
0xd0: {  	[bflag:$0x0] =	sbarrier.arrive $0xFFFF  }
0xd1: {  	p0 =	sne.s32 s0, $0x0;
	_ =	strace $0x90000047  }
0xd2: {  	s0 =	sadd.s32 @!p0 $0x100000, s1;
	[bflag:$0x2] =	sbarrier.arrive $0xFFFF  }
0xd3: {  	[sflag:s0] =	ssyncadd.tile.s32 @!p0 $0x1;
	_ =	shalt  }
.Lfunc_end2:
_tile_overlayer_lowered:
.L_overlay_start_2:
0xd4: {  	(tag) =	ssettag $0x2  }
0xd5: {  	s0 =	rddreg [dreg:$0x0];
	s2 =	stileid.u32  }
0xd6: {  	s1 =	rddreg [dreg:$0x1];
	p0 =	sne.s32 s2, $0x0  }
0xd7: {  	s3 =	rddreg [dreg:$0x2];
	[bflag:$0x3] =	sbarrier.arrive $0xFFFF;
	s2 =	simm.s32 @!p0 $0x1C03  }
0xd8: {  	[timem:s3], [sflag:s2] =	dma.local @!p0 [hbm:s0], s1  }
0xd9: {  	s0 =	simm.s32 @!p0 $0x3  }
0xda: {  	_ =	swait.ge @!p0 [sflag:s0], s1  }
0xdb: {  	s1 =	ssub.s32 @!p0 $0x0, s1;
	[sflag:s0] =	ssyncset.done @!p0 $0x0  }
0xdc: {  	[sflag:s0] =	ssyncadd.s32 @!p0 s1  }
0xdd: {  	[bflag:$0x3] =	sbarrier.arrive $0xFFFF  }
0xde: {  	_ =	shalt  }

</sc_bundles>
